<compile_context>
chip_gen: v7x
topology: tpu7x:2x2x1
jax: 0.10.2.dev20260603
libtpu: 0.0.44.dev20260713+nightly
codegen_flags: <defaults>
</compile_context>

<pallas_src>
import jax
import jax.numpy as jnp
from jax.experimental import pallas as pl
from jax.experimental.pallas import tpu as pltpu
from jax.experimental.pallas import tpu_sc as plsc


_BK = 20000
_TOPC = 2


def _scan_body(rhs_ref, k_ref, bi_ref):
    step = pl.program_id(0)
    bk = k_ref.shape[0]

    k = k_ref[:, :]
    lhs = jnp.concatenate([k, k * k], axis=1)
    dist = jax.lax.dot_general(
        lhs, rhs_ref[:, :], (((1,), (0,)), ((), ())),
        preferred_element_type=jnp.float32)
    dist_t = dist.T

    cols = jax.lax.broadcasted_iota(jnp.int32, dist_t.shape, 1)
    m1 = jnp.min(dist_t, axis=1, keepdims=True)
    i1 = jnp.min(jnp.where(dist_t == m1, cols, bk),
                 axis=1, keepdims=True)
    d2m = jnp.where(dist_t == m1, jnp.inf, dist_t)
    m2 = jnp.min(d2m, axis=1, keepdims=True)
    i2 = jnp.min(jnp.where(d2m == m2, cols, bk),
                 axis=1, keepdims=True)

    base = step * bk
    bi_ref[0] = jnp.concatenate([i1 + base, i2 + base], axis=1)


def _rescore_body(g_ref, q_ref, kit_ref, d_ref, i_ref):
    q_n = q_ref.shape[0]
    n_cand = kit_ref.shape[0]
    big = jnp.int32(2**30)
    g = g_ref[:, :]
    q = q_ref[:, :]
    dots = jax.lax.dot_general(
        g, q, (((1,), (1,)), ((), ())),
        preferred_element_type=jnp.float32)
    ksq = jnp.sum(g * g, axis=1, keepdims=True)
    qsq = jnp.sum(q * q, axis=1, keepdims=True)
    for qi in range(q_n):
        sl = slice(qi * n_cand, (qi + 1) * n_cand)
        d = (qsq[qi, 0] - 2.0 * dots[sl, qi:qi + 1]) + ksq[sl, :]
        m = jnp.min(d, axis=0, keepdims=True)
        ki = kit_ref[:, qi:qi + 1]
        sel = jnp.min(jnp.where(d == m, ki, big),
                      axis=0, keepdims=True)
        d_ref[qi:qi + 1, :] = m
        i_ref[qi:qi + 1, :] = sel


def _sc_gather(keys, flat_idx):
    n_idx = flat_idx.shape[0]
    dim = keys.shape[1]
    mesh = plsc.VectorSubcoreMesh(core_axis_name="c", subcore_axis_name="s")
    window = 128

    @pl.kernel(out_type=jax.ShapeDtypeStruct((n_idx, dim), keys.dtype),
               mesh=mesh)
    def gather_kernel(x_hbm, i_hbm, o_hbm):
        def body(i_vmem, o_vmem):
            pltpu.sync_copy(x_hbm.at[i_vmem.at[0]], o_vmem)

        n_win = n_idx // window
        pltpu.emit_pipeline(
            body,
            grid=(2, n_win // 2),
            in_specs=[pl.BlockSpec(
                (1, window),
                index_map=lambda c, i: (0, c * (n_win // 2) + i))],
            out_specs=[pl.BlockSpec(
                (window, dim),
                index_map=lambda c, i: (c * (n_win // 2) + i, 0))],
            core_axis_name=("c", "s"),
            dimension_semantics=(pltpu.PARALLEL, pltpu.PARALLEL),
        )(i_hbm, o_hbm)

    return gather_kernel(keys, flat_idx.reshape(1, n_idx))


def kernel(queries, keys):
    q_n, dim = queries.shape
    n_keys = keys.shape[0]
    nblk = n_keys // _BK

    rhs = jnp.concatenate(
        [-2.0 * queries.T, jnp.ones((dim, q_n), jnp.float32)], axis=0)

    cand = pl.pallas_call(
        _scan_body,
        grid=(nblk,),
        in_specs=[
            pl.BlockSpec((2 * dim, q_n), lambda i: (0, 0)),
            pl.BlockSpec((_BK, dim), lambda i: (i, 0)),
        ],
        out_specs=pl.BlockSpec((1, q_n, _TOPC), lambda i: (i, 0, 0)),
        out_shape=jax.ShapeDtypeStruct((nblk, q_n, _TOPC), jnp.int32),
        compiler_params=pltpu.CompilerParams(
            dimension_semantics=("arbitrary",)),
    )(rhs, keys)

    n_cand = 128
    cq = cand.transpose(1, 0, 2).reshape(q_n, nblk * _TOPC)
    cand_qmajor = jnp.concatenate(
        [cq, jnp.zeros((q_n, n_cand - cq.shape[1]), jnp.int32)], axis=1)
    flat_idx = cand_qmajor.reshape(q_n * n_cand)

    gathered = _sc_gather(keys, flat_idx)

    d_out, i_out = pl.pallas_call(
        _rescore_body,
        in_specs=[
            pl.BlockSpec((q_n * n_cand, dim), lambda: (0, 0)),
            pl.BlockSpec((q_n, dim), lambda: (0, 0)),
            pl.BlockSpec((n_cand, q_n), lambda: (0, 0)),
        ],
        out_specs=[
            pl.BlockSpec((q_n, 1), lambda: (0, 0)),
            pl.BlockSpec((q_n, 1), lambda: (0, 0)),
        ],
        out_shape=[
            jax.ShapeDtypeStruct((q_n, 1), jnp.float32),
            jax.ShapeDtypeStruct((q_n, 1), jnp.int32),
        ],
    )(gathered, queries, cand_qmajor.T)

    return (d_out, i_out)

# --- scband reference (transcript-rebuilt; emitter-appended) ---
"""Pipeline reference for scband-potential-concept-generator-52063593562402 (READ-ONLY COPY).

The authoritative reference and input builder live on the scoring server;
editing this copy changes nothing except your own understanding.
"""

import jax, jax.numpy as jnp
import numpy as np


def setup_inputs(seed: int = 0) -> dict:
    key = jax.random.key(seed)
    kq, kk = jax.random.split(key)
    queries = jax.random.normal(kq, (16, 128), dtype=jnp.float32)
    keys = jax.random.normal(kk, (1000000, 128), dtype=jnp.float32)
    return {"queries": queries, "keys": keys}


def reference(queries, keys):
    # Faithful to faiss.IndexFlatL2.search(centroids, 1):
    # exact squared-L2 distances, top-1 nearest neighbor per query.
    q_sq = jnp.sum(queries * queries, axis=1, keepdims=True)  # [Q, 1]
    k_sq = jnp.sum(keys * keys, axis=1)                       # [K]
    dist = q_sq - 2.0 * (queries @ keys.T) + k_sq[None, :]    # [Q, K]
    neg_d, idx = jax.lax.top_k(-dist, 1)                      # top-1 min distance
    D = -neg_d                                                # [Q, 1] distances
    I = idx                                                   # [Q, 1] indices
    return (D, I)

if __name__ == "__main__":
    import jax
    _d = setup_inputs()
    print(jax.jit(kernel)(*tuple(_d.values())))

</pallas_src>

<mosaic_0001>
#map = affine_map<(d0, d1) -> (0, 0)>
module attributes {stable_mosaic.version = 14 : i64} {
  func.func @gather_kernel(%arg0: i32, %arg1: i32, %arg2: memref<1000000x128xf32, #tpu.memory_space<hbm>>, %arg3: memref<1x2048xi32, #tpu.memory_space<hbm>>, %arg4: memref<2048x128xf32, #tpu.memory_space<hbm>>) attributes {dimension_semantics = [#tpu.dimension_semantics<core_parallel>, #tpu.dimension_semantics<subcore_parallel>], iteration_bounds = array<i64: 2, 16>, scalar_prefetch = 0 : i64, scratch_operands = 0 : i64, tpu.core_type = #tpu.core_type<sc_vector_subcore>, window_params = [{transform_indices = #map}, {transform_indices = #map}, {transform_indices = #map}]} {
    %mul3A = arith.constant 1 : i32
    %mul3A_0 = arith.muli %arg1, %mul3A : i32
    %add3A = arith.constant 0 : i32
    %add3A_1 = arith.addi %add3A, %mul3A_0 : i32
    %mul3A_2 = arith.constant 16 : i32
    %mul3A_3 = arith.muli %arg0, %mul3A_2 : i32
    %add3A_4 = arith.addi %add3A_1, %mul3A_3 : i32
    %lt3A = arith.constant 8 : i32
    %lt3A_5 = arith.cmpi slt, %add3A_4, %lt3A : i32
    %jit3A = arith.constant 1 : i32
    %jit3A_6 = arith.constant 0 : i32
    %select_n3A = arith.select %lt3A_5, %jit3A, %jit3A_6 : i32
    %lt3A_7 = arith.constant 8 : i32
    %lt3A_8 = arith.cmpi slt, %add3A_4, %lt3A_7 : i32
    %mul3A_9 = arith.muli %add3A_4, %select_n3A : i32
    %mul3A_10 = arith.constant 0 : i32
    %mul3A_11 = arith.muli %add3A_4, %mul3A_10 : i32
    %add3A_12 = arith.constant 8 : i32
    %add3A_13 = arith.addi %mul3A_11, %add3A_12 : i32
    %select_n3A_14 = arith.select %lt3A_8, %mul3A_9, %add3A_13 : i32
    %mul3A_15 = arith.constant 2 : i32
    %mul3A_16 = arith.muli %mul3A_15, %select_n3A : i32
    "tpu.region"() ({
      %run_scoped3A = memref.alloca() : memref<2x1x128xi32, #tpu.memory_space<vmem>>
      %run_scoped3A_17 = tpu.sem_alloc : memref<2x!tpu.dma_semaphore, #tpu.memory_space<semaphore_mem>>
      %run_scoped3A_18 = memref.alloca() : memref<2x128x128xf32, #tpu.memory_space<vmem>>
      %run_scoped3A_19 = tpu.sem_alloc : memref<2x!tpu.dma_semaphore, #tpu.memory_space<semaphore_mem>>
      %gt3A = arith.constant 0 : i32
      %gt3A_20 = arith.cmpi sgt, %mul3A_16, %gt3A : i32
      %convert_element_type3A = arith.extui %gt3A_20 : i1 to i32
      %cond3A = arith.constant 0 : i32
      %cond3A_21 = arith.cmpi ne, %convert_element_type3A, %cond3A : i32
      scf.if %cond3A_21 {
        %mul3A_22 = arith.constant 2 : i32
        %mul3A_23 = arith.muli %mul3A_22, %select_n3A : i32
        %sub3A = arith.constant 1 : i32
        %sub3A_24 = arith.subi %mul3A_23, %sub3A : i32
        %eq3A = arith.constant 0 : i32
        %eq3A_25 = arith.cmpi eq, %sub3A_24, %eq3A : i32
        %add3A_26 = arith.constant 0 : i32
        %add3A_27 = arith.addi %add3A_26, %select_n3A_14 : i32
        %select_n3A_28 = arith.constant true
        %select_n3A_29 = arith.constant 0 : i32
        %select_n3A_30 = arith.constant -1 : i32
        %select_n3A_31 = arith.select %select_n3A_28, %select_n3A_30, %select_n3A_29 : i32
        %eq3A_32 = arith.constant -1 : i32
        %eq3A_33 = arith.cmpi eq, %select_n3A_31, %eq3A_32 : i32
        %sub3A_34 = arith.constant 1 : i32
        %sub3A_35 = arith.subi %select_n3A, %sub3A_34 : i32
        %select_n3A_36 = arith.select %eq3A_33, %sub3A_35, %select_n3A_31 : i32
        %select_n3A_37 = arith.constant 0 : i32
        %select_n3A_38 = arith.constant -1 : i32
        %select_n3A_39 = arith.select %eq3A_33, %select_n3A_38, %select_n3A_37 : i32
        %eq3A_40 = arith.constant -1 : i32
        %eq3A_41 = arith.cmpi eq, %select_n3A_39, %eq3A_40 : i32
        %select_n3A_42 = arith.constant 1 : i32
        %select_n3A_43 = arith.select %eq3A_41, %select_n3A_42, %select_n3A_39 : i32
        %add3A_44 = arith.constant 0 : i32
        %add3A_45 = arith.addi %select_n3A_43, %add3A_44 : i32
        %add3A_46 = arith.addi %select_n3A_36, %select_n3A_14 : i32
        %select_n3A_47 = arith.constant true
        %select_n3A_48 = arith.constant 0 : i32
        %select_n3A_49 = arith.constant 1 : i32
        %select_n3A_50 = arith.select %select_n3A_47, %select_n3A_49, %select_n3A_48 : i32
        %eq3A_51 = arith.cmpi eq, %select_n3A_50, %select_n3A : i32
        %select_n3A_52 = arith.constant 0 : i32
        %select_n3A_53 = arith.select %eq3A_51, %select_n3A_52, %select_n3A_50 : i32
        %select_n3A_54 = arith.constant 0 : i32
        %select_n3A_55 = arith.constant 1 : i32
        %select_n3A_56 = arith.select %eq3A_51, %select_n3A_55, %select_n3A_54 : i32
        %eq3A_57 = arith.constant 2 : i32
        %eq3A_58 = arith.cmpi eq, %select_n3A_56, %eq3A_57 : i32
        %select_n3A_59 = arith.constant 0 : i32
        %select_n3A_60 = arith.select %eq3A_58, %select_n3A_59, %select_n3A_56 : i32
        %add3A_61 = arith.constant 0 : i32
        %add3A_62 = arith.addi %select_n3A_60, %add3A_61 : i32
        %add3A_63 = arith.addi %select_n3A_53, %select_n3A_14 : i32
        %add3A_64 = arith.constant 1 : i32
        %add3A_65 = arith.addi %select_n3A_53, %add3A_64 : i32
        %select_n3A_66 = arith.constant true
        %select_n3A_67 = arith.select %select_n3A_66, %add3A_65, %select_n3A_53 : i32
        %eq3A_68 = arith.cmpi eq, %select_n3A_67, %select_n3A : i32
        %select_n3A_69 = arith.constant 0 : i32
        %select_n3A_70 = arith.select %eq3A_68, %select_n3A_69, %select_n3A_67 : i32
        %add3A_71 = arith.constant 1 : i32
        %add3A_72 = arith.addi %select_n3A_60, %add3A_71 : i32
        %select_n3A_73 = arith.select %eq3A_68, %add3A_72, %select_n3A_60 : i32
        %eq3A_74 = arith.constant 2 : i32
        %eq3A_75 = arith.cmpi eq, %select_n3A_73, %eq3A_74 : i32
        %select_n3A_76 = arith.constant 0 : i32
        %select_n3A_77 = arith.select %eq3A_75, %select_n3A_76, %select_n3A_73 : i32
        %add3A_78 = arith.constant 0 : i32
        %add3A_79 = arith.addi %select_n3A_77, %add3A_78 : i32
        %add3A_80 = arith.addi %select_n3A_70, %select_n3A_14 : i32
        "tpu.trace_start"() <{level = 10 : i32, message = "ep_initialize_0"}> : () -> ()
        %rem3A = arith.constant 0 : i32
        %rem3A_81 = arith.constant 2 : i32
        %rem3A_82 = arith.remui %rem3A, %rem3A_81 : i32
        %add3A_83 = arith.constant 0 : i32
        %add3A_84 = arith.addi %add3A_83, %add3A_27 : i32
        %mul3A_85 = arith.constant 128 : i32
        %mul3A_86 = arith.muli %mul3A_85, %add3A_84 : i32
        %dma_start3A = arith.constant 0 : i32
        %dma_start3A_87 = arith.constant 0 : i32
        %dma_start3A_88 = tpu.memref_slice %run_scoped3A[%rem3A_82, %dma_start3A, %dma_start3A_87] : memref<2x1x128xi32, #tpu.memory_space<vmem>> -> memref<1x1x128xi32, #tpu.memory_space<vmem>>
        %dma_start3A_89 = tpu.memref_squeeze %dma_start3A_88 : memref<1x1x128xi32, #tpu.memory_space<vmem>> -> memref<1x128xi32, #tpu.memory_space<vmem>>
        %dma_start3A_90 = arith.constant 0 : i32
        %dma_start3A_91 = tpu.memref_slice %arg3[%dma_start3A_90, %mul3A_86] : memref<1x2048xi32, #tpu.memory_space<hbm>> -> memref<1x128xi32, #tpu.memory_space<hbm>>
        %dma_start3A_92 = tpu.memref_slice %run_scoped3A_17[%rem3A_82] : memref<2x!tpu.dma_semaphore, #tpu.memory_space<semaphore_mem>> -> memref<1x!tpu.dma_semaphore, #tpu.memory_space<semaphore_mem>>
        %dma_start3A_93 = tpu.memref_squeeze %dma_start3A_92 : memref<1x!tpu.dma_semaphore, #tpu.memory_space<semaphore_mem>> -> memref<!tpu.dma_semaphore, #tpu.memory_space<semaphore_mem>>
        %dma_start3A_94 = arith.constant 0 : i32
        %dma_start3A_95 = arith.constant 0 : i32
        %dma_start3A_96 = tpu.memref_slice %run_scoped3A[%rem3A_82, %dma_start3A_94, %dma_start3A_95] : memref<2x1x128xi32, #tpu.memory_space<vmem>> -> memref<1x1x128xi32, #tpu.memory_space<vmem>>
        %dma_start3A_97 = tpu.memref_squeeze %dma_start3A_96 : memref<1x1x128xi32, #tpu.memory_space<vmem>> -> memref<1x128xi32, #tpu.memory_space<vmem>>
        %dma_start3A_98 = arith.constant 0 : i32
        %dma_start3A_99 = tpu.memref_slice %arg3[%dma_start3A_98, %mul3A_86] : memref<1x2048xi32, #tpu.memory_space<hbm>> -> memref<1x128xi32, #tpu.memory_space<hbm>>
        tpu.enqueue_dma source(%dma_start3A_99 : memref<1x128xi32, #tpu.memory_space<hbm>>) target(%dma_start3A_97 : memref<1x128xi32, #tpu.memory_space<vmem>>) target_semaphore(%dma_start3A_93 : memref<!tpu.dma_semaphore, #tpu.memory_space<semaphore_mem>>)
        %add3A_100 = arith.constant 0 : i32
        %add3A_101 = arith.constant 1 : i32
        %add3A_102 = arith.addi %add3A_100, %add3A_101 : i32
        %select_n3A_103 = arith.constant true
        %select_n3A_104 = arith.constant 0 : i32
        %select_n3A_105 = arith.select %select_n3A_103, %add3A_102, %select_n3A_104 : i32
        %while3A = arith.constant 0 : i32
        %while3A_106 = arith.constant 0 : i32
        %while3A_107 = arith.constant 0 : i32
        %while3A_108 = arith.constant 0 : i32
        %while3A_109 = arith.constant 0 : i32
        %while3A_110 = arith.constant 0 : i32
        "tpu.trace_stop"() : () -> ()
        %while3A_111 = arith.subi %mul3A_16, %while3A : i32
        %while3A_112 = arith.addi %while3A, %while3A_111 : i32
        %while3A_113 = arith.constant 1 : i32
        %while3A_114 = arith.divsi %while3A_111, %while3A_113 : i32
        %while3A_115 = arith.muli %while3A_114, %while3A_113 : i32
        %while3A_116 = arith.addi %while3A, %while3A_115 : i32
        %while3A_117 = arith.constant 1 : i32
        %while3A_118:6 = scf.for %while3A_208 = %while3A to %while3A_116 step %while3A_117 iter_args(%while3A_209 = %select_n3A_105, %while3A_210 = %while3A_106, %while3A_211 = %while3A_107, %while3A_212 = %while3A_108, %while3A_213 = %while3A_109, %while3A_214 = %while3A_110) -> (i32, i32, i32, i32, i32, i32)  : i32 {
          %mul3A_215 = arith.constant 2 : i32
          %mul3A_216 = arith.muli %mul3A_215, %select_n3A : i32
          %eq3A_217 = arith.constant 0 : i32
          %eq3A_218 = arith.cmpi eq, %while3A_208, %eq3A_217 : i32
          %sub3A_219 = arith.constant 1 : i32
          %sub3A_220 = arith.subi %mul3A_216, %sub3A_219 : i32
          %eq3A_221 = arith.cmpi eq, %while3A_208, %sub3A_220 : i32
          %add3A_222 = arith.constant 0 : i32
          %add3A_223 = arith.addi %while3A_213, %add3A_222 : i32
          %add3A_224 = arith.addi %while3A_214, %select_n3A_14 : i32
          %sub3A_225 = arith.constant 1 : i32
          %sub3A_226 = arith.subi %while3A_214, %sub3A_225 : i32
          %select_n3A_227 = arith.constant true
          %select_n3A_228 = arith.select %select_n3A_227, %sub3A_226, %while3A_214 : i32
          %eq3A_229 = arith.constant -1 : i32
          %eq3A_230 = arith.cmpi eq, %select_n3A_228, %eq3A_229 : i32
          %sub3A_231 = arith.constant 1 : i32
          %sub3A_232 = arith.subi %select_n3A, %sub3A_231 : i32
          %select_n3A_233 = arith.select %eq3A_230, %sub3A_232, %select_n3A_228 : i32
          %sub3A_234 = arith.constant 1 : i32
          %sub3A_235 = arith.subi %while3A_213, %sub3A_234 : i32
          %select_n3A_236 = arith.select %eq3A_230, %sub3A_235, %while3A_213 : i32
          %eq3A_237 = arith.constant -1 : i32
          %eq3A_238 = arith.cmpi eq, %select_n3A_236, %eq3A_237 : i32
          %select_n3A_239 = arith.constant 1 : i32
          %select_n3A_240 = arith.select %eq3A_238, %select_n3A_239, %select_n3A_236 : i32
          %add3A_241 = arith.constant 0 : i32
          %add3A_242 = arith.addi %select_n3A_240, %add3A_241 : i32
          %add3A_243 = arith.addi %select_n3A_233, %select_n3A_14 : i32
          %add3A_244 = arith.constant 1 : i32
          %add3A_245 = arith.addi %while3A_214, %add3A_244 : i32
          %select_n3A_246 = arith.constant true
          %select_n3A_247 = arith.select %select_n3A_246, %add3A_245, %while3A_214 : i32
          %eq3A_248 = arith.cmpi eq, %select_n3A_247, %select_n3A : i32
          %select_n3A_249 = arith.constant 0 : i32
          %select_n3A_250 = arith.select %eq3A_248, %select_n3A_249, %select_n3A_247 : i32
          %add3A_251 = arith.constant 1 : i32
          %add3A_252 = arith.addi %while3A_213, %add3A_251 : i32
          %select_n3A_253 = arith.select %eq3A_248, %add3A_252, %while3A_213 : i32
          %eq3A_254 = arith.constant 2 : i32
          %eq3A_255 = arith.cmpi eq, %select_n3A_253, %eq3A_254 : i32
          %select_n3A_256 = arith.constant 0 : i32
          %select_n3A_257 = arith.select %eq3A_255, %select_n3A_256, %select_n3A_253 : i32
          %add3A_258 = arith.constant 0 : i32
          %add3A_259 = arith.addi %select_n3A_257, %add3A_258 : i32
          %add3A_260 = arith.addi %select_n3A_250, %select_n3A_14 : i32
          %add3A_261 = arith.constant 1 : i32
          %add3A_262 = arith.addi %select_n3A_250, %add3A_261 : i32
          %select_n3A_263 = arith.constant true
          %select_n3A_264 = arith.select %select_n3A_263, %add3A_262, %select_n3A_250 : i32
          %eq3A_265 = arith.cmpi eq, %select_n3A_264, %select_n3A : i32
          %select_n3A_266 = arith.constant 0 : i32
          %select_n3A_267 = arith.select %eq3A_265, %select_n3A_266, %select_n3A_264 : i32
          %add3A_268 = arith.constant 1 : i32
          %add3A_269 = arith.addi %select_n3A_257, %add3A_268 : i32
          %select_n3A_270 = arith.select %eq3A_265, %add3A_269, %select_n3A_257 : i32
          %eq3A_271 = arith.constant 2 : i32
          %eq3A_272 = arith.cmpi eq, %select_n3A_270, %eq3A_271 : i32
          %select_n3A_273 = arith.constant 0 : i32
          %select_n3A_274 = arith.select %eq3A_272, %select_n3A_273, %select_n3A_270 : i32
          %add3A_275 = arith.constant 0 : i32
          %add3A_276 = arith.addi %select_n3A_274, %add3A_275 : i32
          %add3A_277 = arith.addi %select_n3A_267, %select_n3A_14 : i32
          %mul3A_278 = arith.constant 8 : i32
          %mul3A_279 = arith.muli %add3A_223, %mul3A_278 : i32
          %add3A_280 = arith.addi %mul3A_279, %add3A_224 : i32
          %mul3A_281 = arith.constant 8 : i32
          %mul3A_282 = arith.muli %add3A_259, %mul3A_281 : i32
          %add3A_283 = arith.addi %mul3A_282, %add3A_260 : i32
          %ne3A = arith.cmpi ne, %add3A_280, %add3A_283 : i32
          %or3A = arith.constant false
          %or3A_284 = arith.ori %or3A, %ne3A : i1
          %sub3A_285 = arith.constant 2 : i32
          %sub3A_286 = arith.subi %mul3A_216, %sub3A_285 : i32
          %add3A_287 = arith.constant 1 : i32
          %add3A_288 = arith.addi %sub3A_286, %add3A_287 : i32
          %ge3A = arith.cmpi sge, %while3A_208, %add3A_288 : i32
          %not3A = arith.constant true
          %not3A_289 = arith.xori %ge3A, %not3A : i1
          %and3A = arith.andi %or3A_284, %not3A_289 : i1
          %convert_element_type3A_290 = arith.extui %and3A : i1 to i32
          %cond3A_291 = arith.constant 0 : i32
          %cond3A_292 = arith.cmpi ne, %convert_element_type3A_290, %cond3A_291 : i32
          scf.if %cond3A_292 {
            "tpu.trace_start"() <{level = 10 : i32, message = "ep_copy_in"}> : () -> ()
            %rem3A_451 = arith.constant 2 : i32
            %rem3A_452 = arith.remui %while3A_209, %rem3A_451 : i32
            %mul3A_453 = arith.constant 8 : i32
            %mul3A_454 = arith.muli %add3A_259, %mul3A_453 : i32
            %add3A_455 = arith.addi %mul3A_454, %add3A_260 : i32
            %mul3A_456 = arith.constant 128 : i32
            %mul3A_457 = arith.muli %mul3A_456, %add3A_455 : i32
            %dma_start3A_458 = arith.constant 0 : i32
            %dma_start3A_459 = arith.constant 0 : i32
            %dma_start3A_460 = tpu.memref_slice %run_scoped3A[%rem3A_452, %dma_start3A_458, %dma_start3A_459] : memref<2x1x128xi32, #tpu.memory_space<vmem>> -> memref<1x1x128xi32, #tpu.memory_space<vmem>>
            %dma_start3A_461 = tpu.memref_squeeze %dma_start3A_460 : memref<1x1x128xi32, #tpu.memory_space<vmem>> -> memref<1x128xi32, #tpu.memory_space<vmem>>
            %dma_start3A_462 = arith.constant 0 : i32
            %dma_start3A_463 = tpu.memref_slice %arg3[%dma_start3A_462, %mul3A_457] : memref<1x2048xi32, #tpu.memory_space<hbm>> -> memref<1x128xi32, #tpu.memory_space<hbm>>
            %dma_start3A_464 = tpu.memref_slice %run_scoped3A_17[%rem3A_452] : memref<2x!tpu.dma_semaphore, #tpu.memory_space<semaphore_mem>> -> memref<1x!tpu.dma_semaphore, #tpu.memory_space<semaphore_mem>>
            %dma_start3A_465 = tpu.memref_squeeze %dma_start3A_464 : memref<1x!tpu.dma_semaphore, #tpu.memory_space<semaphore_mem>> -> memref<!tpu.dma_semaphore, #tpu.memory_space<semaphore_mem>>
            %dma_start3A_466 = arith.constant 0 : i32
            %dma_start3A_467 = arith.constant 0 : i32
            %dma_start3A_468 = tpu.memref_slice %run_scoped3A[%rem3A_452, %dma_start3A_466, %dma_start3A_467] : memref<2x1x128xi32, #tpu.memory_space<vmem>> -> memref<1x1x128xi32, #tpu.memory_space<vmem>>
            %dma_start3A_469 = tpu.memref_squeeze %dma_start3A_468 : memref<1x1x128xi32, #tpu.memory_space<vmem>> -> memref<1x128xi32, #tpu.memory_space<vmem>>
            %dma_start3A_470 = arith.constant 0 : i32
            %dma_start3A_471 = tpu.memref_slice %arg3[%dma_start3A_470, %mul3A_457] : memref<1x2048xi32, #tpu.memory_space<hbm>> -> memref<1x128xi32, #tpu.memory_space<hbm>>
            tpu.enqueue_dma source(%dma_start3A_471 : memref<1x128xi32, #tpu.memory_space<hbm>>) target(%dma_start3A_469 : memref<1x128xi32, #tpu.memory_space<vmem>>) target_semaphore(%dma_start3A_465 : memref<!tpu.dma_semaphore, #tpu.memory_space<semaphore_mem>>)
            "tpu.trace_stop"() : () -> ()
          } else {
          }
          %and3A_293 = arith.constant true
          %and3A_294 = arith.andi %and3A, %and3A_293 : i1
          %add3A_295 = arith.constant 1 : i32
          %add3A_296 = arith.addi %while3A_209, %add3A_295 : i32
          %select_n3A_297 = arith.select %and3A_294, %add3A_296, %while3A_209 : i32
          %mul3A_298 = arith.constant 8 : i32
          %mul3A_299 = arith.muli %add3A_223, %mul3A_298 : i32
          %add3A_300 = arith.addi %mul3A_299, %add3A_224 : i32
          %mul3A_301 = arith.constant 8 : i32
          %mul3A_302 = arith.muli %add3A_259, %mul3A_301 : i32
          %add3A_303 = arith.addi %mul3A_302, %add3A_260 : i32
          %ne3A_304 = arith.cmpi ne, %add3A_300, %add3A_303 : i32
          %or3A_305 = arith.constant false
          %or3A_306 = arith.ori %or3A_305, %ne3A_304 : i1
          %or3A_307 = arith.constant false
          %or3A_308 = arith.ori %or3A_306, %or3A_307 : i1
          %sub3A_309 = arith.constant 2 : i32
          %sub3A_310 = arith.subi %mul3A_216, %sub3A_309 : i32
          %add3A_311 = arith.constant 1 : i32
          %add3A_312 = arith.addi %sub3A_310, %add3A_311 : i32
          %ge3A_313 = arith.cmpi sge, %while3A_208, %add3A_312 : i32
          %not3A_314 = arith.constant true
          %not3A_315 = arith.xori %ge3A_313, %not3A_314 : i1
          %and3A_316 = arith.andi %or3A_308, %not3A_315 : i1
          %mul3A_317 = arith.constant 8 : i32
          %mul3A_318 = arith.muli %add3A_223, %mul3A_317 : i32
          %add3A_319 = arith.addi %mul3A_318, %add3A_224 : i32
          %mul3A_320 = arith.constant 8 : i32
          %mul3A_321 = arith.muli %add3A_242, %mul3A_320 : i32
          %add3A_322 = arith.addi %mul3A_321, %add3A_243 : i32
          %ne3A_323 = arith.cmpi ne, %add3A_319, %add3A_322 : i32
          %or3A_324 = arith.constant false
          %or3A_325 = arith.ori %or3A_324, %ne3A_323 : i1
          %or3A_326 = arith.ori %or3A_325, %eq3A_218 : i1
          %convert_element_type3A_327 = arith.extui %or3A_326 : i1 to i32
          %cond3A_328 = arith.constant 0 : i32
          %cond3A_329 = arith.cmpi ne, %convert_element_type3A_327, %cond3A_328 : i32
          scf.if %cond3A_329 {
            "tpu.trace_start"() <{level = 10 : i32, message = "ep_wait_in"}> : () -> ()
            %mul3A_451 = arith.constant 8 : i32
            %mul3A_452 = arith.muli %add3A_223, %mul3A_451 : i32
            %add3A_453 = arith.addi %mul3A_452, %add3A_224 : i32
            %mul3A_454 = arith.constant 128 : i32
            %mul3A_455 = arith.muli %mul3A_454, %add3A_453 : i32
            %rem3A_456 = arith.constant 2 : i32
            %rem3A_457 = arith.remui %while3A_210, %rem3A_456 : i32
            %dma_wait3A = arith.constant 0 : i32
            %dma_wait3A_458 = arith.constant 0 : i32
            %dma_wait3A_459 = tpu.memref_slice %run_scoped3A[%rem3A_457, %dma_wait3A, %dma_wait3A_458] : memref<2x1x128xi32, #tpu.memory_space<vmem>> -> memref<1x1x128xi32, #tpu.memory_space<vmem>>
            %dma_wait3A_460 = tpu.memref_squeeze %dma_wait3A_459 : memref<1x1x128xi32, #tpu.memory_space<vmem>> -> memref<1x128xi32, #tpu.memory_space<vmem>>
            %dma_wait3A_461 = arith.constant 0 : i32
            %dma_wait3A_462 = tpu.memref_slice %arg3[%dma_wait3A_461, %mul3A_455] : memref<1x2048xi32, #tpu.memory_space<hbm>> -> memref<1x128xi32, #tpu.memory_space<hbm>>
            %dma_wait3A_463 = tpu.memref_slice %run_scoped3A_17[%rem3A_457] : memref<2x!tpu.dma_semaphore, #tpu.memory_space<semaphore_mem>> -> memref<1x!tpu.dma_semaphore, #tpu.memory_space<semaphore_mem>>
            %dma_wait3A_464 = tpu.memref_squeeze %dma_wait3A_463 : memref<1x!tpu.dma_semaphore, #tpu.memory_space<semaphore_mem>> -> memref<!tpu.dma_semaphore, #tpu.memory_space<semaphore_mem>>
            %dma_wait3A_465 = arith.constant 0 : i32
            %dma_wait3A_466 = arith.constant 0 : i32
            %dma_wait3A_467 = tpu.memref_slice %run_scoped3A[%rem3A_457, %dma_wait3A_465, %dma_wait3A_466] : memref<2x1x128xi32, #tpu.memory_space<vmem>> -> memref<1x1x128xi32, #tpu.memory_space<vmem>>
            %dma_wait3A_468 = tpu.memref_squeeze %dma_wait3A_467 : memref<1x1x128xi32, #tpu.memory_space<vmem>> -> memref<1x128xi32, #tpu.memory_space<vmem>>
            %dma_wait3A_469 = arith.constant 0 : i32
            %dma_wait3A_470 = tpu.memref_slice %arg3[%dma_wait3A_469, %mul3A_455] : memref<1x2048xi32, #tpu.memory_space<hbm>> -> memref<1x128xi32, #tpu.memory_space<hbm>>
            tpu.wait_dma2 semaphore(%dma_wait3A_464 : memref<!tpu.dma_semaphore, #tpu.memory_space<semaphore_mem>>) src(%dma_wait3A_470 : memref<1x128xi32, #tpu.memory_space<hbm>>) dst(%dma_wait3A_468 : memref<1x128xi32, #tpu.memory_space<vmem>>)
            "tpu.trace_stop"() : () -> ()
          } else {
          }
          %mul3A_330 = arith.constant 8 : i32
          %mul3A_331 = arith.muli %add3A_223, %mul3A_330 : i32
          %add3A_332 = arith.addi %mul3A_331, %add3A_224 : i32
          %mul3A_333 = arith.constant 8 : i32
          %mul3A_334 = arith.muli %add3A_242, %mul3A_333 : i32
          %add3A_335 = arith.addi %mul3A_334, %add3A_243 : i32
          %ne3A_336 = arith.cmpi ne, %add3A_332, %add3A_335 : i32
          %or3A_337 = arith.constant false
          %or3A_338 = arith.ori %or3A_337, %ne3A_336 : i1
          %or3A_339 = arith.constant false
          %or3A_340 = arith.ori %or3A_338, %or3A_339 : i1
          %or3A_341 = arith.ori %or3A_340, %eq3A_218 : i1
          %convert_element_type3A_342 = arith.extui %or3A_341 : i1 to i32
          %cond3A_343 = arith.constant 0 : i32
          %cond3A_344 = arith.cmpi ne, %convert_element_type3A_342, %cond3A_343 : i32
          scf.if %cond3A_344 {
          } else {
          }
          %rem3A_345 = arith.constant 2 : i32
          %rem3A_346 = arith.remui %while3A_210, %rem3A_345 : i32
          %rem3A_347 = arith.constant 2 : i32
          %rem3A_348 = arith.remui %while3A_211, %rem3A_347 : i32
          %run_scoped3A_349 = arith.constant 0 : i32
          "tpu.trace_start"() <{level = 10 : i32, message = "ep_run_kernel"}> : () -> ()
          "tpu.region"() ({
            %run_scoped3A_451 = tpu.sem_alloc : memref<!tpu.dma_semaphore, #tpu.memory_space<semaphore_mem>>
            %dma_start3A_452 = arith.constant 0 : i32
            %dma_start3A_453 = arith.constant 0 : i32
            %dma_start3A_454 = tpu.memref_slice %run_scoped3A_18[%rem3A_348, %dma_start3A_452, %dma_start3A_453] : memref<2x128x128xf32, #tpu.memory_space<vmem>> -> memref<1x128x128xf32, #tpu.memory_space<vmem>>
            %dma_start3A_455 = tpu.memref_squeeze %dma_start3A_454 : memref<1x128x128xf32, #tpu.memory_space<vmem>> -> memref<128x128xf32, #tpu.memory_space<vmem>>
            %dma_start3A_456 = arith.constant 0 : i32
            %dma_start3A_457 = arith.constant 0 : i32
            %dma_start3A_458 = tpu.memref_slice %run_scoped3A[%rem3A_346, %dma_start3A_456, %dma_start3A_457] : memref<2x1x128xi32, #tpu.memory_space<vmem>> -> memref<1x1x128xi32, #tpu.memory_space<vmem>>
            %dma_start3A_459 = tpu.memref_squeeze %dma_start3A_458 : memref<1x1x128xi32, #tpu.memory_space<vmem>> -> memref<1x128xi32, #tpu.memory_space<vmem>>
            %dma_start3A_460 = arith.constant 0 : i32
            %dma_start3A_461 = tpu.memref_slice %dma_start3A_459[%run_scoped3A_349, %dma_start3A_460] : memref<1x128xi32, #tpu.memory_space<vmem>> -> memref<1x128xi32, #tpu.memory_space<vmem>>
            %dma_start3A_462 = tpu.memref_squeeze %dma_start3A_461 : memref<1x128xi32, #tpu.memory_space<vmem>> -> memref<128xi32, #tpu.memory_space<vmem>>
            %dma_start3A_463 = arith.constant 0 : i32
            %dma_start3A_464 = arith.constant 0 : i32
            %dma_start3A_465 = tpu.memref_slice %arg2[%dma_start3A_463, %dma_start3A_464] : memref<1000000x128xf32, #tpu.memory_space<hbm>> -> memref<1000000x128xf32, #tpu.memory_space<hbm>>
            tpu.enqueue_indirect_dma source(%dma_start3A_465 : memref<1000000x128xf32, #tpu.memory_space<hbm>>) target(%dma_start3A_455 : memref<128x128xf32, #tpu.memory_space<vmem>>) offsets(%dma_start3A_462 : memref<128xi32, #tpu.memory_space<vmem>>) semaphore(%run_scoped3A_451 : memref<!tpu.dma_semaphore, #tpu.memory_space<semaphore_mem>>)
            %dma_wait3A = arith.constant 0 : i32
            %dma_wait3A_466 = arith.constant 0 : i32
            %dma_wait3A_467 = tpu.memref_slice %run_scoped3A_18[%rem3A_348, %dma_wait3A, %dma_wait3A_466] : memref<2x128x128xf32, #tpu.memory_space<vmem>> -> memref<1x128x128xf32, #tpu.memory_space<vmem>>
            %dma_wait3A_468 = tpu.memref_squeeze %dma_wait3A_467 : memref<1x128x128xf32, #tpu.memory_space<vmem>> -> memref<128x128xf32, #tpu.memory_space<vmem>>
            %dma_wait3A_469 = arith.constant 0 : i32
            %dma_wait3A_470 = arith.constant 0 : i32
            %dma_wait3A_471 = tpu.memref_slice %run_scoped3A[%rem3A_346, %dma_wait3A_469, %dma_wait3A_470] : memref<2x1x128xi32, #tpu.memory_space<vmem>> -> memref<1x1x128xi32, #tpu.memory_space<vmem>>
            %dma_wait3A_472 = tpu.memref_squeeze %dma_wait3A_471 : memref<1x1x128xi32, #tpu.memory_space<vmem>> -> memref<1x128xi32, #tpu.memory_space<vmem>>
            %dma_wait3A_473 = arith.constant 0 : i32
            %dma_wait3A_474 = tpu.memref_slice %dma_wait3A_472[%run_scoped3A_349, %dma_wait3A_473] : memref<1x128xi32, #tpu.memory_space<vmem>> -> memref<1x128xi32, #tpu.memory_space<vmem>>
            %dma_wait3A_475 = tpu.memref_squeeze %dma_wait3A_474 : memref<1x128xi32, #tpu.memory_space<vmem>> -> memref<128xi32, #tpu.memory_space<vmem>>
            %dma_wait3A_476 = arith.constant 0 : i32
            %dma_wait3A_477 = arith.constant 0 : i32
            %dma_wait3A_478 = tpu.memref_slice %arg2[%dma_wait3A_476, %dma_wait3A_477] : memref<1000000x128xf32, #tpu.memory_space<hbm>> -> memref<1000000x128xf32, #tpu.memory_space<hbm>>
            tpu.wait_indirect_dma semaphore(%run_scoped3A_451 : memref<!tpu.dma_semaphore, #tpu.memory_space<semaphore_mem>>) src(%dma_wait3A_478 : memref<1000000x128xf32, #tpu.memory_space<hbm>>) dst(%dma_wait3A_468 : memref<128x128xf32, #tpu.memory_space<vmem>>)
            tpu.yield
          }) : () -> ()
          "tpu.trace_stop"() : () -> ()
          %mul3A_350 = arith.constant 8 : i32
          %mul3A_351 = arith.muli %add3A_223, %mul3A_350 : i32
          %add3A_352 = arith.addi %mul3A_351, %add3A_224 : i32
          %mul3A_353 = arith.constant 8 : i32
          %mul3A_354 = arith.muli %add3A_259, %mul3A_353 : i32
          %add3A_355 = arith.addi %mul3A_354, %add3A_260 : i32
          %ne3A_356 = arith.cmpi ne, %add3A_352, %add3A_355 : i32
          %or3A_357 = arith.constant false
          %or3A_358 = arith.ori %or3A_357, %ne3A_356 : i1
          %or3A_359 = arith.ori %or3A_358, %eq3A_221 : i1
          %convert_element_type3A_360 = arith.extui %or3A_359 : i1 to i32
          %cond3A_361 = arith.constant 0 : i32
          %cond3A_362 = arith.cmpi ne, %convert_element_type3A_360, %cond3A_361 : i32
          scf.if %cond3A_362 {
          } else {
          }
          %and3A_363 = arith.constant false
          %and3A_364 = arith.andi %or3A_359, %and3A_363 : i1
          %mul3A_365 = arith.constant 8 : i32
          %mul3A_366 = arith.muli %add3A_223, %mul3A_365 : i32
          %add3A_367 = arith.addi %mul3A_366, %add3A_224 : i32
          %mul3A_368 = arith.constant 8 : i32
          %mul3A_369 = arith.muli %add3A_259, %mul3A_368 : i32
          %add3A_370 = arith.addi %mul3A_369, %add3A_260 : i32
          %ne3A_371 = arith.cmpi ne, %add3A_367, %add3A_370 : i32
          %or3A_372 = arith.constant false
          %or3A_373 = arith.ori %or3A_372, %ne3A_371 : i1
          %or3A_374 = arith.constant false
          %or3A_375 = arith.ori %or3A_373, %or3A_374 : i1
          %or3A_376 = arith.ori %or3A_375, %eq3A_221 : i1
          %convert_element_type3A_377 = arith.extui %or3A_376 : i1 to i32
          %cond3A_378 = arith.constant 0 : i32
          %cond3A_379 = arith.cmpi ne, %convert_element_type3A_377, %cond3A_378 : i32
          scf.if %cond3A_379 {
            "tpu.trace_start"() <{level = 10 : i32, message = "ep_copy_out"}> : () -> ()
            %rem3A_451 = arith.constant 2 : i32
            %rem3A_452 = arith.remui %while3A_211, %rem3A_451 : i32
            %mul3A_453 = arith.constant 8 : i32
            %mul3A_454 = arith.muli %add3A_223, %mul3A_453 : i32
            %add3A_455 = arith.addi %mul3A_454, %add3A_224 : i32
            %mul3A_456 = arith.constant 128 : i32
            %mul3A_457 = arith.muli %mul3A_456, %add3A_455 : i32
            %dma_start3A_458 = arith.constant 0 : i32
            %dma_start3A_459 = arith.constant 0 : i32
            %dma_start3A_460 = tpu.memref_slice %run_scoped3A_18[%rem3A_452, %dma_start3A_458, %dma_start3A_459] : memref<2x128x128xf32, #tpu.memory_space<vmem>> -> memref<1x128x128xf32, #tpu.memory_space<vmem>>
            %dma_start3A_461 = tpu.memref_squeeze %dma_start3A_460 : memref<1x128x128xf32, #tpu.memory_space<vmem>> -> memref<128x128xf32, #tpu.memory_space<vmem>>
            %dma_start3A_462 = arith.constant 0 : i32
            %dma_start3A_463 = tpu.memref_slice %arg4[%mul3A_457, %dma_start3A_462] : memref<2048x128xf32, #tpu.memory_space<hbm>> -> memref<128x128xf32, #tpu.memory_space<hbm>>
            %dma_start3A_464 = tpu.memref_slice %run_scoped3A_19[%rem3A_452] : memref<2x!tpu.dma_semaphore, #tpu.memory_space<semaphore_mem>> -> memref<1x!tpu.dma_semaphore, #tpu.memory_space<semaphore_mem>>
            %dma_start3A_465 = tpu.memref_squeeze %dma_start3A_464 : memref<1x!tpu.dma_semaphore, #tpu.memory_space<semaphore_mem>> -> memref<!tpu.dma_semaphore, #tpu.memory_space<semaphore_mem>>
            %dma_start3A_466 = arith.constant 0 : i32
            %dma_start3A_467 = tpu.memref_slice %arg4[%mul3A_457, %dma_start3A_466] : memref<2048x128xf32, #tpu.memory_space<hbm>> -> memref<128x128xf32, #tpu.memory_space<hbm>>
            %dma_start3A_468 = arith.constant 0 : i32
            %dma_start3A_469 = arith.constant 0 : i32
            %dma_start3A_470 = tpu.memref_slice %run_scoped3A_18[%rem3A_452, %dma_start3A_468, %dma_start3A_469] : memref<2x128x128xf32, #tpu.memory_space<vmem>> -> memref<1x128x128xf32, #tpu.memory_space<vmem>>
            %dma_start3A_471 = tpu.memref_squeeze %dma_start3A_470 : memref<1x128x128xf32, #tpu.memory_space<vmem>> -> memref<128x128xf32, #tpu.memory_space<vmem>>
            tpu.enqueue_dma source(%dma_start3A_471 : memref<128x128xf32, #tpu.memory_space<vmem>>) target(%dma_start3A_467 : memref<128x128xf32, #tpu.memory_space<hbm>>) target_semaphore(%dma_start3A_465 : memref<!tpu.dma_semaphore, #tpu.memory_space<semaphore_mem>>)
            "tpu.trace_stop"() : () -> ()
          } else {
          }
          %and3A_380 = arith.constant true
          %and3A_381 = arith.andi %or3A_376, %and3A_380 : i1
          %add3A_382 = arith.constant 1 : i32
          %add3A_383 = arith.addi %while3A_211, %add3A_382 : i32
          %select_n3A_384 = arith.select %and3A_381, %add3A_383, %while3A_211 : i32
          %mul3A_385 = arith.constant 8 : i32
          %mul3A_386 = arith.muli %add3A_223, %mul3A_385 : i32
          %add3A_387 = arith.addi %mul3A_386, %add3A_224 : i32
          %mul3A_388 = arith.constant 8 : i32
          %mul3A_389 = arith.muli %add3A_242, %mul3A_388 : i32
          %add3A_390 = arith.addi %mul3A_389, %add3A_243 : i32
          %ne3A_391 = arith.cmpi ne, %add3A_387, %add3A_390 : i32
          %or3A_392 = arith.constant false
          %or3A_393 = arith.ori %or3A_392, %ne3A_391 : i1
          %not3A_394 = arith.constant true
          %not3A_395 = arith.xori %eq3A_218, %not3A_394 : i1
          %and3A_396 = arith.andi %or3A_393, %not3A_395 : i1
          %convert_element_type3A_397 = arith.extui %and3A_396 : i1 to i32
          %cond3A_398 = arith.constant 0 : i32
          %cond3A_399 = arith.cmpi ne, %convert_element_type3A_397, %cond3A_398 : i32
          scf.if %cond3A_399 {
          } else {
          }
          %and3A_400 = arith.constant false
          %and3A_401 = arith.andi %and3A_396, %and3A_400 : i1
          %mul3A_402 = arith.constant 8 : i32
          %mul3A_403 = arith.muli %add3A_223, %mul3A_402 : i32
          %add3A_404 = arith.addi %mul3A_403, %add3A_224 : i32
          %mul3A_405 = arith.constant 8 : i32
          %mul3A_406 = arith.muli %add3A_242, %mul3A_405 : i32
          %add3A_407 = arith.addi %mul3A_406, %add3A_243 : i32
          %ne3A_408 = arith.cmpi ne, %add3A_404, %add3A_407 : i32
          %or3A_409 = arith.constant false
          %or3A_410 = arith.ori %or3A_409, %ne3A_408 : i1
          %or3A_411 = arith.constant false
          %or3A_412 = arith.ori %or3A_410, %or3A_411 : i1
          %not3A_413 = arith.constant true
          %not3A_414 = arith.xori %eq3A_218, %not3A_413 : i1
          %and3A_415 = arith.andi %or3A_412, %not3A_414 : i1
          %convert_element_type3A_416 = arith.extui %and3A_415 : i1 to i32
          %cond3A_417 = arith.constant 0 : i32
          %cond3A_418 = arith.cmpi ne, %convert_element_type3A_416, %cond3A_417 : i32
          scf.if %cond3A_418 {
            "tpu.trace_start"() <{level = 10 : i32, message = "ep_wait_out"}> : () -> ()
            %rem3A_451 = arith.constant 2 : i32
            %rem3A_452 = arith.remui %while3A_212, %rem3A_451 : i32
            %mul3A_453 = arith.constant 8 : i32
            %mul3A_454 = arith.muli %add3A_242, %mul3A_453 : i32
            %add3A_455 = arith.addi %mul3A_454, %add3A_243 : i32
            %mul3A_456 = arith.constant 128 : i32
            %mul3A_457 = arith.muli %mul3A_456, %add3A_455 : i32
            %dma_wait3A = arith.constant 0 : i32
            %dma_wait3A_458 = arith.constant 0 : i32
            %dma_wait3A_459 = tpu.memref_slice %run_scoped3A_18[%rem3A_452, %dma_wait3A, %dma_wait3A_458] : memref<2x128x128xf32, #tpu.memory_space<vmem>> -> memref<1x128x128xf32, #tpu.memory_space<vmem>>
            %dma_wait3A_460 = tpu.memref_squeeze %dma_wait3A_459 : memref<1x128x128xf32, #tpu.memory_space<vmem>> -> memref<128x128xf32, #tpu.memory_space<vmem>>
            %dma_wait3A_461 = arith.constant 0 : i32
            %dma_wait3A_462 = tpu.memref_slice %arg4[%mul3A_457, %dma_wait3A_461] : memref<2048x128xf32, #tpu.memory_space<hbm>> -> memref<128x128xf32, #tpu.memory_space<hbm>>
            %dma_wait3A_463 = tpu.memref_slice %run_scoped3A_19[%rem3A_452] : memref<2x!tpu.dma_semaphore, #tpu.memory_space<semaphore_mem>> -> memref<1x!tpu.dma_semaphore, #tpu.memory_space<semaphore_mem>>
            %dma_wait3A_464 = tpu.memref_squeeze %dma_wait3A_463 : memref<1x!tpu.dma_semaphore, #tpu.memory_space<semaphore_mem>> -> memref<!tpu.dma_semaphore, #tpu.memory_space<semaphore_mem>>
            %dma_wait3A_465 = arith.constant 0 : i32
            %dma_wait3A_466 = tpu.memref_slice %arg4[%mul3A_457, %dma_wait3A_465] : memref<2048x128xf32, #tpu.memory_space<hbm>> -> memref<128x128xf32, #tpu.memory_space<hbm>>
            %dma_wait3A_467 = arith.constant 0 : i32
            %dma_wait3A_468 = arith.constant 0 : i32
            %dma_wait3A_469 = tpu.memref_slice %run_scoped3A_18[%rem3A_452, %dma_wait3A_467, %dma_wait3A_468] : memref<2x128x128xf32, #tpu.memory_space<vmem>> -> memref<1x128x128xf32, #tpu.memory_space<vmem>>
            %dma_wait3A_470 = tpu.memref_squeeze %dma_wait3A_469 : memref<1x128x128xf32, #tpu.memory_space<vmem>> -> memref<128x128xf32, #tpu.memory_space<vmem>>
            tpu.wait_dma2 semaphore(%dma_wait3A_464 : memref<!tpu.dma_semaphore, #tpu.memory_space<semaphore_mem>>) src(%dma_wait3A_470 : memref<128x128xf32, #tpu.memory_space<vmem>>) dst(%dma_wait3A_466 : memref<128x128xf32, #tpu.memory_space<hbm>>)
            "tpu.trace_stop"() : () -> ()
          } else {
          }
          %and3A_419 = arith.constant true
          %and3A_420 = arith.andi %and3A_415, %and3A_419 : i1
          %add3A_421 = arith.constant 1 : i32
          %add3A_422 = arith.addi %while3A_212, %add3A_421 : i32
          %select_n3A_423 = arith.select %and3A_420, %add3A_422, %while3A_212 : i32
          %mul3A_424 = arith.constant 8 : i32
          %mul3A_425 = arith.muli %add3A_223, %mul3A_424 : i32
          %add3A_426 = arith.addi %mul3A_425, %add3A_224 : i32
          %mul3A_427 = arith.constant 8 : i32
          %mul3A_428 = arith.muli %add3A_259, %mul3A_427 : i32
          %add3A_429 = arith.addi %mul3A_428, %add3A_260 : i32
          %ne3A_430 = arith.cmpi ne, %add3A_426, %add3A_429 : i32
          %or3A_431 = arith.constant false
          %or3A_432 = arith.ori %or3A_431, %ne3A_430 : i1
          %or3A_433 = arith.ori %or3A_432, %eq3A_221 : i1
          %add3A_434 = arith.constant 1 : i32
          %add3A_435 = arith.addi %while3A_210, %add3A_434 : i32
          %select_n3A_436 = arith.select %or3A_433, %add3A_435, %while3A_210 : i32
          %add3A_437 = arith.constant 1 : i32
          %add3A_438 = arith.addi %while3A_214, %add3A_437 : i32
          %select_n3A_439 = arith.constant true
          %select_n3A_440 = arith.select %select_n3A_439, %add3A_438, %while3A_214 : i32
          %eq3A_441 = arith.cmpi eq, %select_n3A_440, %select_n3A : i32
          %select_n3A_442 = arith.constant 0 : i32
          %select_n3A_443 = arith.select %eq3A_441, %select_n3A_442, %select_n3A_440 : i32
          %add3A_444 = arith.constant 1 : i32
          %add3A_445 = arith.addi %while3A_213, %add3A_444 : i32
          %select_n3A_446 = arith.select %eq3A_441, %add3A_445, %while3A_213 : i32
          %eq3A_447 = arith.constant 2 : i32
          %eq3A_448 = arith.cmpi eq, %select_n3A_446, %eq3A_447 : i32
          %select_n3A_449 = arith.constant 0 : i32
          %select_n3A_450 = arith.select %eq3A_448, %select_n3A_449, %select_n3A_446 : i32
          scf.yield %select_n3A_297, %select_n3A_436, %select_n3A_384, %select_n3A_423, %select_n3A_450, %select_n3A_443 : i32, i32, i32, i32, i32, i32
        }
        %while3A_119 = arith.constant 1 : i32
        %while3A_120:6 = scf.for %while3A_208 = %while3A_116 to %while3A_112 step %while3A_119 iter_args(%while3A_209 = %while3A_118#0, %while3A_210 = %while3A_118#1, %while3A_211 = %while3A_118#2, %while3A_212 = %while3A_118#3, %while3A_213 = %while3A_118#4, %while3A_214 = %while3A_118#5) -> (i32, i32, i32, i32, i32, i32)  : i32 {
          %mul3A_215 = arith.constant 2 : i32
          %mul3A_216 = arith.muli %mul3A_215, %select_n3A : i32
          %eq3A_217 = arith.constant 0 : i32
          %eq3A_218 = arith.cmpi eq, %while3A_208, %eq3A_217 : i32
          %sub3A_219 = arith.constant 1 : i32
          %sub3A_220 = arith.subi %mul3A_216, %sub3A_219 : i32
          %eq3A_221 = arith.cmpi eq, %while3A_208, %sub3A_220 : i32
          %add3A_222 = arith.constant 0 : i32
          %add3A_223 = arith.addi %while3A_213, %add3A_222 : i32
          %add3A_224 = arith.addi %while3A_214, %select_n3A_14 : i32
          %sub3A_225 = arith.constant 1 : i32
          %sub3A_226 = arith.subi %while3A_214, %sub3A_225 : i32
          %select_n3A_227 = arith.constant true
          %select_n3A_228 = arith.select %select_n3A_227, %sub3A_226, %while3A_214 : i32
          %eq3A_229 = arith.constant -1 : i32
          %eq3A_230 = arith.cmpi eq, %select_n3A_228, %eq3A_229 : i32
          %sub3A_231 = arith.constant 1 : i32
          %sub3A_232 = arith.subi %select_n3A, %sub3A_231 : i32
          %select_n3A_233 = arith.select %eq3A_230, %sub3A_232, %select_n3A_228 : i32
          %sub3A_234 = arith.constant 1 : i32
          %sub3A_235 = arith.subi %while3A_213, %sub3A_234 : i32
          %select_n3A_236 = arith.select %eq3A_230, %sub3A_235, %while3A_213 : i32
          %eq3A_237 = arith.constant -1 : i32
          %eq3A_238 = arith.cmpi eq, %select_n3A_236, %eq3A_237 : i32
          %select_n3A_239 = arith.constant 1 : i32
          %select_n3A_240 = arith.select %eq3A_238, %select_n3A_239, %select_n3A_236 : i32
          %add3A_241 = arith.constant 0 : i32
          %add3A_242 = arith.addi %select_n3A_240, %add3A_241 : i32
          %add3A_243 = arith.addi %select_n3A_233, %select_n3A_14 : i32
          %add3A_244 = arith.constant 1 : i32
          %add3A_245 = arith.addi %while3A_214, %add3A_244 : i32
          %select_n3A_246 = arith.constant true
          %select_n3A_247 = arith.select %select_n3A_246, %add3A_245, %while3A_214 : i32
          %eq3A_248 = arith.cmpi eq, %select_n3A_247, %select_n3A : i32
          %select_n3A_249 = arith.constant 0 : i32
          %select_n3A_250 = arith.select %eq3A_248, %select_n3A_249, %select_n3A_247 : i32
          %add3A_251 = arith.constant 1 : i32
          %add3A_252 = arith.addi %while3A_213, %add3A_251 : i32
          %select_n3A_253 = arith.select %eq3A_248, %add3A_252, %while3A_213 : i32
          %eq3A_254 = arith.constant 2 : i32
          %eq3A_255 = arith.cmpi eq, %select_n3A_253, %eq3A_254 : i32
          %select_n3A_256 = arith.constant 0 : i32
          %select_n3A_257 = arith.select %eq3A_255, %select_n3A_256, %select_n3A_253 : i32
          %add3A_258 = arith.constant 0 : i32
          %add3A_259 = arith.addi %select_n3A_257, %add3A_258 : i32
          %add3A_260 = arith.addi %select_n3A_250, %select_n3A_14 : i32
          %add3A_261 = arith.constant 1 : i32
          %add3A_262 = arith.addi %select_n3A_250, %add3A_261 : i32
          %select_n3A_263 = arith.constant true
          %select_n3A_264 = arith.select %select_n3A_263, %add3A_262, %select_n3A_250 : i32
          %eq3A_265 = arith.cmpi eq, %select_n3A_264, %select_n3A : i32
          %select_n3A_266 = arith.constant 0 : i32
          %select_n3A_267 = arith.select %eq3A_265, %select_n3A_266, %select_n3A_264 : i32
          %add3A_268 = arith.constant 1 : i32
          %add3A_269 = arith.addi %select_n3A_257, %add3A_268 : i32
          %select_n3A_270 = arith.select %eq3A_265, %add3A_269, %select_n3A_257 : i32
          %eq3A_271 = arith.constant 2 : i32
          %eq3A_272 = arith.cmpi eq, %select_n3A_270, %eq3A_271 : i32
          %select_n3A_273 = arith.constant 0 : i32
          %select_n3A_274 = arith.select %eq3A_272, %select_n3A_273, %select_n3A_270 : i32
          %add3A_275 = arith.constant 0 : i32
          %add3A_276 = arith.addi %select_n3A_274, %add3A_275 : i32
          %add3A_277 = arith.addi %select_n3A_267, %select_n3A_14 : i32
          %mul3A_278 = arith.constant 8 : i32
          %mul3A_279 = arith.muli %add3A_223, %mul3A_278 : i32
          %add3A_280 = arith.addi %mul3A_279, %add3A_224 : i32
          %mul3A_281 = arith.constant 8 : i32
          %mul3A_282 = arith.muli %add3A_259, %mul3A_281 : i32
          %add3A_283 = arith.addi %mul3A_282, %add3A_260 : i32
          %ne3A = arith.cmpi ne, %add3A_280, %add3A_283 : i32
          %or3A = arith.constant false
          %or3A_284 = arith.ori %or3A, %ne3A : i1
          %sub3A_285 = arith.constant 2 : i32
          %sub3A_286 = arith.subi %mul3A_216, %sub3A_285 : i32
          %add3A_287 = arith.constant 1 : i32
          %add3A_288 = arith.addi %sub3A_286, %add3A_287 : i32
          %ge3A = arith.cmpi sge, %while3A_208, %add3A_288 : i32
          %not3A = arith.constant true
          %not3A_289 = arith.xori %ge3A, %not3A : i1
          %and3A = arith.andi %or3A_284, %not3A_289 : i1
          %convert_element_type3A_290 = arith.extui %and3A : i1 to i32
          %cond3A_291 = arith.constant 0 : i32
          %cond3A_292 = arith.cmpi ne, %convert_element_type3A_290, %cond3A_291 : i32
          scf.if %cond3A_292 {
            "tpu.trace_start"() <{level = 10 : i32, message = "ep_copy_in"}> : () -> ()
            %rem3A_451 = arith.constant 2 : i32
            %rem3A_452 = arith.remui %while3A_209, %rem3A_451 : i32
            %mul3A_453 = arith.constant 8 : i32
            %mul3A_454 = arith.muli %add3A_259, %mul3A_453 : i32
            %add3A_455 = arith.addi %mul3A_454, %add3A_260 : i32
            %mul3A_456 = arith.constant 128 : i32
            %mul3A_457 = arith.muli %mul3A_456, %add3A_455 : i32
            %dma_start3A_458 = arith.constant 0 : i32
            %dma_start3A_459 = arith.constant 0 : i32
            %dma_start3A_460 = tpu.memref_slice %run_scoped3A[%rem3A_452, %dma_start3A_458, %dma_start3A_459] : memref<2x1x128xi32, #tpu.memory_space<vmem>> -> memref<1x1x128xi32, #tpu.memory_space<vmem>>
            %dma_start3A_461 = tpu.memref_squeeze %dma_start3A_460 : memref<1x1x128xi32, #tpu.memory_space<vmem>> -> memref<1x128xi32, #tpu.memory_space<vmem>>
            %dma_start3A_462 = arith.constant 0 : i32
            %dma_start3A_463 = tpu.memref_slice %arg3[%dma_start3A_462, %mul3A_457] : memref<1x2048xi32, #tpu.memory_space<hbm>> -> memref<1x128xi32, #tpu.memory_space<hbm>>
            %dma_start3A_464 = tpu.memref_slice %run_scoped3A_17[%rem3A_452] : memref<2x!tpu.dma_semaphore, #tpu.memory_space<semaphore_mem>> -> memref<1x!tpu.dma_semaphore, #tpu.memory_space<semaphore_mem>>
            %dma_start3A_465 = tpu.memref_squeeze %dma_start3A_464 : memref<1x!tpu.dma_semaphore, #tpu.memory_space<semaphore_mem>> -> memref<!tpu.dma_semaphore, #tpu.memory_space<semaphore_mem>>
            %dma_start3A_466 = arith.constant 0 : i32
            %dma_start3A_467 = arith.constant 0 : i32
            %dma_start3A_468 = tpu.memref_slice %run_scoped3A[%rem3A_452, %dma_start3A_466, %dma_start3A_467] : memref<2x1x128xi32, #tpu.memory_space<vmem>> -> memref<1x1x128xi32, #tpu.memory_space<vmem>>
            %dma_start3A_469 = tpu.memref_squeeze %dma_start3A_468 : memref<1x1x128xi32, #tpu.memory_space<vmem>> -> memref<1x128xi32, #tpu.memory_space<vmem>>
            %dma_start3A_470 = arith.constant 0 : i32
            %dma_start3A_471 = tpu.memref_slice %arg3[%dma_start3A_470, %mul3A_457] : memref<1x2048xi32, #tpu.memory_space<hbm>> -> memref<1x128xi32, #tpu.memory_space<hbm>>
            tpu.enqueue_dma source(%dma_start3A_471 : memref<1x128xi32, #tpu.memory_space<hbm>>) target(%dma_start3A_469 : memref<1x128xi32, #tpu.memory_space<vmem>>) target_semaphore(%dma_start3A_465 : memref<!tpu.dma_semaphore, #tpu.memory_space<semaphore_mem>>)
            "tpu.trace_stop"() : () -> ()
          } else {
          }
          %and3A_293 = arith.constant true
          %and3A_294 = arith.andi %and3A, %and3A_293 : i1
          %add3A_295 = arith.constant 1 : i32
          %add3A_296 = arith.addi %while3A_209, %add3A_295 : i32
          %select_n3A_297 = arith.select %and3A_294, %add3A_296, %while3A_209 : i32
          %mul3A_298 = arith.constant 8 : i32
          %mul3A_299 = arith.muli %add3A_223, %mul3A_298 : i32
          %add3A_300 = arith.addi %mul3A_299, %add3A_224 : i32
          %mul3A_301 = arith.constant 8 : i32
          %mul3A_302 = arith.muli %add3A_259, %mul3A_301 : i32
          %add3A_303 = arith.addi %mul3A_302, %add3A_260 : i32
          %ne3A_304 = arith.cmpi ne, %add3A_300, %add3A_303 : i32
          %or3A_305 = arith.constant false
          %or3A_306 = arith.ori %or3A_305, %ne3A_304 : i1
          %or3A_307 = arith.constant false
          %or3A_308 = arith.ori %or3A_306, %or3A_307 : i1
          %sub3A_309 = arith.constant 2 : i32
          %sub3A_310 = arith.subi %mul3A_216, %sub3A_309 : i32
          %add3A_311 = arith.constant 1 : i32
          %add3A_312 = arith.addi %sub3A_310, %add3A_311 : i32
          %ge3A_313 = arith.cmpi sge, %while3A_208, %add3A_312 : i32
          %not3A_314 = arith.constant true
          %not3A_315 = arith.xori %ge3A_313, %not3A_314 : i1
          %and3A_316 = arith.andi %or3A_308, %not3A_315 : i1
          %mul3A_317 = arith.constant 8 : i32
          %mul3A_318 = arith.muli %add3A_223, %mul3A_317 : i32
          %add3A_319 = arith.addi %mul3A_318, %add3A_224 : i32
          %mul3A_320 = arith.constant 8 : i32
          %mul3A_321 = arith.muli %add3A_242, %mul3A_320 : i32
          %add3A_322 = arith.addi %mul3A_321, %add3A_243 : i32
          %ne3A_323 = arith.cmpi ne, %add3A_319, %add3A_322 : i32
          %or3A_324 = arith.constant false
          %or3A_325 = arith.ori %or3A_324, %ne3A_323 : i1
          %or3A_326 = arith.ori %or3A_325, %eq3A_218 : i1
          %convert_element_type3A_327 = arith.extui %or3A_326 : i1 to i32
          %cond3A_328 = arith.constant 0 : i32
          %cond3A_329 = arith.cmpi ne, %convert_element_type3A_327, %cond3A_328 : i32
          scf.if %cond3A_329 {
            "tpu.trace_start"() <{level = 10 : i32, message = "ep_wait_in"}> : () -> ()
            %mul3A_451 = arith.constant 8 : i32
            %mul3A_452 = arith.muli %add3A_223, %mul3A_451 : i32
            %add3A_453 = arith.addi %mul3A_452, %add3A_224 : i32
            %mul3A_454 = arith.constant 128 : i32
            %mul3A_455 = arith.muli %mul3A_454, %add3A_453 : i32
            %rem3A_456 = arith.constant 2 : i32
            %rem3A_457 = arith.remui %while3A_210, %rem3A_456 : i32
            %dma_wait3A = arith.constant 0 : i32
            %dma_wait3A_458 = arith.constant 0 : i32
            %dma_wait3A_459 = tpu.memref_slice %run_scoped3A[%rem3A_457, %dma_wait3A, %dma_wait3A_458] : memref<2x1x128xi32, #tpu.memory_space<vmem>> -> memref<1x1x128xi32, #tpu.memory_space<vmem>>
            %dma_wait3A_460 = tpu.memref_squeeze %dma_wait3A_459 : memref<1x1x128xi32, #tpu.memory_space<vmem>> -> memref<1x128xi32, #tpu.memory_space<vmem>>
            %dma_wait3A_461 = arith.constant 0 : i32
            %dma_wait3A_462 = tpu.memref_slice %arg3[%dma_wait3A_461, %mul3A_455] : memref<1x2048xi32, #tpu.memory_space<hbm>> -> memref<1x128xi32, #tpu.memory_space<hbm>>
            %dma_wait3A_463 = tpu.memref_slice %run_scoped3A_17[%rem3A_457] : memref<2x!tpu.dma_semaphore, #tpu.memory_space<semaphore_mem>> -> memref<1x!tpu.dma_semaphore, #tpu.memory_space<semaphore_mem>>
            %dma_wait3A_464 = tpu.memref_squeeze %dma_wait3A_463 : memref<1x!tpu.dma_semaphore, #tpu.memory_space<semaphore_mem>> -> memref<!tpu.dma_semaphore, #tpu.memory_space<semaphore_mem>>
            %dma_wait3A_465 = arith.constant 0 : i32
            %dma_wait3A_466 = arith.constant 0 : i32
            %dma_wait3A_467 = tpu.memref_slice %run_scoped3A[%rem3A_457, %dma_wait3A_465, %dma_wait3A_466] : memref<2x1x128xi32, #tpu.memory_space<vmem>> -> memref<1x1x128xi32, #tpu.memory_space<vmem>>
            %dma_wait3A_468 = tpu.memref_squeeze %dma_wait3A_467 : memref<1x1x128xi32, #tpu.memory_space<vmem>> -> memref<1x128xi32, #tpu.memory_space<vmem>>
            %dma_wait3A_469 = arith.constant 0 : i32
            %dma_wait3A_470 = tpu.memref_slice %arg3[%dma_wait3A_469, %mul3A_455] : memref<1x2048xi32, #tpu.memory_space<hbm>> -> memref<1x128xi32, #tpu.memory_space<hbm>>
            tpu.wait_dma2 semaphore(%dma_wait3A_464 : memref<!tpu.dma_semaphore, #tpu.memory_space<semaphore_mem>>) src(%dma_wait3A_470 : memref<1x128xi32, #tpu.memory_space<hbm>>) dst(%dma_wait3A_468 : memref<1x128xi32, #tpu.memory_space<vmem>>)
            "tpu.trace_stop"() : () -> ()
          } else {
          }
          %mul3A_330 = arith.constant 8 : i32
          %mul3A_331 = arith.muli %add3A_223, %mul3A_330 : i32
          %add3A_332 = arith.addi %mul3A_331, %add3A_224 : i32
          %mul3A_333 = arith.constant 8 : i32
          %mul3A_334 = arith.muli %add3A_242, %mul3A_333 : i32
          %add3A_335 = arith.addi %mul3A_334, %add3A_243 : i32
          %ne3A_336 = arith.cmpi ne, %add3A_332, %add3A_335 : i32
          %or3A_337 = arith.constant false
          %or3A_338 = arith.ori %or3A_337, %ne3A_336 : i1
          %or3A_339 = arith.constant false
          %or3A_340 = arith.ori %or3A_338, %or3A_339 : i1
          %or3A_341 = arith.ori %or3A_340, %eq3A_218 : i1
          %convert_element_type3A_342 = arith.extui %or3A_341 : i1 to i32
          %cond3A_343 = arith.constant 0 : i32
          %cond3A_344 = arith.cmpi ne, %convert_element_type3A_342, %cond3A_343 : i32
          scf.if %cond3A_344 {
          } else {
          }
          %rem3A_345 = arith.constant 2 : i32
          %rem3A_346 = arith.remui %while3A_210, %rem3A_345 : i32
          %rem3A_347 = arith.constant 2 : i32
          %rem3A_348 = arith.remui %while3A_211, %rem3A_347 : i32
          %run_scoped3A_349 = arith.constant 0 : i32
          "tpu.trace_start"() <{level = 10 : i32, message = "ep_run_kernel"}> : () -> ()
          "tpu.region"() ({
            %run_scoped3A_451 = tpu.sem_alloc : memref<!tpu.dma_semaphore, #tpu.memory_space<semaphore_mem>>
            %dma_start3A_452 = arith.constant 0 : i32
            %dma_start3A_453 = arith.constant 0 : i32
            %dma_start3A_454 = tpu.memref_slice %run_scoped3A_18[%rem3A_348, %dma_start3A_452, %dma_start3A_453] : memref<2x128x128xf32, #tpu.memory_space<vmem>> -> memref<1x128x128xf32, #tpu.memory_space<vmem>>
            %dma_start3A_455 = tpu.memref_squeeze %dma_start3A_454 : memref<1x128x128xf32, #tpu.memory_space<vmem>> -> memref<128x128xf32, #tpu.memory_space<vmem>>
            %dma_start3A_456 = arith.constant 0 : i32
            %dma_start3A_457 = arith.constant 0 : i32
            %dma_start3A_458 = tpu.memref_slice %run_scoped3A[%rem3A_346, %dma_start3A_456, %dma_start3A_457] : memref<2x1x128xi32, #tpu.memory_space<vmem>> -> memref<1x1x128xi32, #tpu.memory_space<vmem>>
            %dma_start3A_459 = tpu.memref_squeeze %dma_start3A_458 : memref<1x1x128xi32, #tpu.memory_space<vmem>> -> memref<1x128xi32, #tpu.memory_space<vmem>>
            %dma_start3A_460 = arith.constant 0 : i32
            %dma_start3A_461 = tpu.memref_slice %dma_start3A_459[%run_scoped3A_349, %dma_start3A_460] : memref<1x128xi32, #tpu.memory_space<vmem>> -> memref<1x128xi32, #tpu.memory_space<vmem>>
            %dma_start3A_462 = tpu.memref_squeeze %dma_start3A_461 : memref<1x128xi32, #tpu.memory_space<vmem>> -> memref<128xi32, #tpu.memory_space<vmem>>
            %dma_start3A_463 = arith.constant 0 : i32
            %dma_start3A_464 = arith.constant 0 : i32
            %dma_start3A_465 = tpu.memref_slice %arg2[%dma_start3A_463, %dma_start3A_464] : memref<1000000x128xf32, #tpu.memory_space<hbm>> -> memref<1000000x128xf32, #tpu.memory_space<hbm>>
            tpu.enqueue_indirect_dma source(%dma_start3A_465 : memref<1000000x128xf32, #tpu.memory_space<hbm>>) target(%dma_start3A_455 : memref<128x128xf32, #tpu.memory_space<vmem>>) offsets(%dma_start3A_462 : memref<128xi32, #tpu.memory_space<vmem>>) semaphore(%run_scoped3A_451 : memref<!tpu.dma_semaphore, #tpu.memory_space<semaphore_mem>>)
            %dma_wait3A = arith.constant 0 : i32
            %dma_wait3A_466 = arith.constant 0 : i32
            %dma_wait3A_467 = tpu.memref_slice %run_scoped3A_18[%rem3A_348, %dma_wait3A, %dma_wait3A_466] : memref<2x128x128xf32, #tpu.memory_space<vmem>> -> memref<1x128x128xf32, #tpu.memory_space<vmem>>
            %dma_wait3A_468 = tpu.memref_squeeze %dma_wait3A_467 : memref<1x128x128xf32, #tpu.memory_space<vmem>> -> memref<128x128xf32, #tpu.memory_space<vmem>>
            %dma_wait3A_469 = arith.constant 0 : i32
            %dma_wait3A_470 = arith.constant 0 : i32
            %dma_wait3A_471 = tpu.memref_slice %run_scoped3A[%rem3A_346, %dma_wait3A_469, %dma_wait3A_470] : memref<2x1x128xi32, #tpu.memory_space<vmem>> -> memref<1x1x128xi32, #tpu.memory_space<vmem>>
            %dma_wait3A_472 = tpu.memref_squeeze %dma_wait3A_471 : memref<1x1x128xi32, #tpu.memory_space<vmem>> -> memref<1x128xi32, #tpu.memory_space<vmem>>
            %dma_wait3A_473 = arith.constant 0 : i32
            %dma_wait3A_474 = tpu.memref_slice %dma_wait3A_472[%run_scoped3A_349, %dma_wait3A_473] : memref<1x128xi32, #tpu.memory_space<vmem>> -> memref<1x128xi32, #tpu.memory_space<vmem>>
            %dma_wait3A_475 = tpu.memref_squeeze %dma_wait3A_474 : memref<1x128xi32, #tpu.memory_space<vmem>> -> memref<128xi32, #tpu.memory_space<vmem>>
            %dma_wait3A_476 = arith.constant 0 : i32
            %dma_wait3A_477 = arith.constant 0 : i32
            %dma_wait3A_478 = tpu.memref_slice %arg2[%dma_wait3A_476, %dma_wait3A_477] : memref<1000000x128xf32, #tpu.memory_space<hbm>> -> memref<1000000x128xf32, #tpu.memory_space<hbm>>
            tpu.wait_indirect_dma semaphore(%run_scoped3A_451 : memref<!tpu.dma_semaphore, #tpu.memory_space<semaphore_mem>>) src(%dma_wait3A_478 : memref<1000000x128xf32, #tpu.memory_space<hbm>>) dst(%dma_wait3A_468 : memref<128x128xf32, #tpu.memory_space<vmem>>)
            tpu.yield
          }) : () -> ()
          "tpu.trace_stop"() : () -> ()
          %mul3A_350 = arith.constant 8 : i32
          %mul3A_351 = arith.muli %add3A_223, %mul3A_350 : i32
          %add3A_352 = arith.addi %mul3A_351, %add3A_224 : i32
          %mul3A_353 = arith.constant 8 : i32
          %mul3A_354 = arith.muli %add3A_259, %mul3A_353 : i32
          %add3A_355 = arith.addi %mul3A_354, %add3A_260 : i32
          %ne3A_356 = arith.cmpi ne, %add3A_352, %add3A_355 : i32
          %or3A_357 = arith.constant false
          %or3A_358 = arith.ori %or3A_357, %ne3A_356 : i1
          %or3A_359 = arith.ori %or3A_358, %eq3A_221 : i1
          %convert_element_type3A_360 = arith.extui %or3A_359 : i1 to i32
          %cond3A_361 = arith.constant 0 : i32
          %cond3A_362 = arith.cmpi ne, %convert_element_type3A_360, %cond3A_361 : i32
          scf.if %cond3A_362 {
          } else {
          }
          %and3A_363 = arith.constant false
          %and3A_364 = arith.andi %or3A_359, %and3A_363 : i1
          %mul3A_365 = arith.constant 8 : i32
          %mul3A_366 = arith.muli %add3A_223, %mul3A_365 : i32
          %add3A_367 = arith.addi %mul3A_366, %add3A_224 : i32
          %mul3A_368 = arith.constant 8 : i32
          %mul3A_369 = arith.muli %add3A_259, %mul3A_368 : i32
          %add3A_370 = arith.addi %mul3A_369, %add3A_260 : i32
          %ne3A_371 = arith.cmpi ne, %add3A_367, %add3A_370 : i32
          %or3A_372 = arith.constant false
          %or3A_373 = arith.ori %or3A_372, %ne3A_371 : i1
          %or3A_374 = arith.constant false
          %or3A_375 = arith.ori %or3A_373, %or3A_374 : i1
          %or3A_376 = arith.ori %or3A_375, %eq3A_221 : i1
          %convert_element_type3A_377 = arith.extui %or3A_376 : i1 to i32
          %cond3A_378 = arith.constant 0 : i32
          %cond3A_379 = arith.cmpi ne, %convert_element_type3A_377, %cond3A_378 : i32
          scf.if %cond3A_379 {
            "tpu.trace_start"() <{level = 10 : i32, message = "ep_copy_out"}> : () -> ()
            %rem3A_451 = arith.constant 2 : i32
            %rem3A_452 = arith.remui %while3A_211, %rem3A_451 : i32
            %mul3A_453 = arith.constant 8 : i32
            %mul3A_454 = arith.muli %add3A_223, %mul3A_453 : i32
            %add3A_455 = arith.addi %mul3A_454, %add3A_224 : i32
            %mul3A_456 = arith.constant 128 : i32
            %mul3A_457 = arith.muli %mul3A_456, %add3A_455 : i32
            %dma_start3A_458 = arith.constant 0 : i32
            %dma_start3A_459 = arith.constant 0 : i32
            %dma_start3A_460 = tpu.memref_slice %run_scoped3A_18[%rem3A_452, %dma_start3A_458, %dma_start3A_459] : memref<2x128x128xf32, #tpu.memory_space<vmem>> -> memref<1x128x128xf32, #tpu.memory_space<vmem>>
            %dma_start3A_461 = tpu.memref_squeeze %dma_start3A_460 : memref<1x128x128xf32, #tpu.memory_space<vmem>> -> memref<128x128xf32, #tpu.memory_space<vmem>>
            %dma_start3A_462 = arith.constant 0 : i32
            %dma_start3A_463 = tpu.memref_slice %arg4[%mul3A_457, %dma_start3A_462] : memref<2048x128xf32, #tpu.memory_space<hbm>> -> memref<128x128xf32, #tpu.memory_space<hbm>>
            %dma_start3A_464 = tpu.memref_slice %run_scoped3A_19[%rem3A_452] : memref<2x!tpu.dma_semaphore, #tpu.memory_space<semaphore_mem>> -> memref<1x!tpu.dma_semaphore, #tpu.memory_space<semaphore_mem>>
            %dma_start3A_465 = tpu.memref_squeeze %dma_start3A_464 : memref<1x!tpu.dma_semaphore, #tpu.memory_space<semaphore_mem>> -> memref<!tpu.dma_semaphore, #tpu.memory_space<semaphore_mem>>
            %dma_start3A_466 = arith.constant 0 : i32
            %dma_start3A_467 = tpu.memref_slice %arg4[%mul3A_457, %dma_start3A_466] : memref<2048x128xf32, #tpu.memory_space<hbm>> -> memref<128x128xf32, #tpu.memory_space<hbm>>
            %dma_start3A_468 = arith.constant 0 : i32
            %dma_start3A_469 = arith.constant 0 : i32
            %dma_start3A_470 = tpu.memref_slice %run_scoped3A_18[%rem3A_452, %dma_start3A_468, %dma_start3A_469] : memref<2x128x128xf32, #tpu.memory_space<vmem>> -> memref<1x128x128xf32, #tpu.memory_space<vmem>>
            %dma_start3A_471 = tpu.memref_squeeze %dma_start3A_470 : memref<1x128x128xf32, #tpu.memory_space<vmem>> -> memref<128x128xf32, #tpu.memory_space<vmem>>
            tpu.enqueue_dma source(%dma_start3A_471 : memref<128x128xf32, #tpu.memory_space<vmem>>) target(%dma_start3A_467 : memref<128x128xf32, #tpu.memory_space<hbm>>) target_semaphore(%dma_start3A_465 : memref<!tpu.dma_semaphore, #tpu.memory_space<semaphore_mem>>)
            "tpu.trace_stop"() : () -> ()
          } else {
          }
          %and3A_380 = arith.constant true
          %and3A_381 = arith.andi %or3A_376, %and3A_380 : i1
          %add3A_382 = arith.constant 1 : i32
          %add3A_383 = arith.addi %while3A_211, %add3A_382 : i32
          %select_n3A_384 = arith.select %and3A_381, %add3A_383, %while3A_211 : i32
          %mul3A_385 = arith.constant 8 : i32
          %mul3A_386 = arith.muli %add3A_223, %mul3A_385 : i32
          %add3A_387 = arith.addi %mul3A_386, %add3A_224 : i32
          %mul3A_388 = arith.constant 8 : i32
          %mul3A_389 = arith.muli %add3A_242, %mul3A_388 : i32
          %add3A_390 = arith.addi %mul3A_389, %add3A_243 : i32
          %ne3A_391 = arith.cmpi ne, %add3A_387, %add3A_390 : i32
          %or3A_392 = arith.constant false
          %or3A_393 = arith.ori %or3A_392, %ne3A_391 : i1
          %not3A_394 = arith.constant true
          %not3A_395 = arith.xori %eq3A_218, %not3A_394 : i1
          %and3A_396 = arith.andi %or3A_393, %not3A_395 : i1
          %convert_element_type3A_397 = arith.extui %and3A_396 : i1 to i32
          %cond3A_398 = arith.constant 0 : i32
          %cond3A_399 = arith.cmpi ne, %convert_element_type3A_397, %cond3A_398 : i32
          scf.if %cond3A_399 {
          } else {
          }
          %and3A_400 = arith.constant false
          %and3A_401 = arith.andi %and3A_396, %and3A_400 : i1
          %mul3A_402 = arith.constant 8 : i32
          %mul3A_403 = arith.muli %add3A_223, %mul3A_402 : i32
          %add3A_404 = arith.addi %mul3A_403, %add3A_224 : i32
          %mul3A_405 = arith.constant 8 : i32
          %mul3A_406 = arith.muli %add3A_242, %mul3A_405 : i32
          %add3A_407 = arith.addi %mul3A_406, %add3A_243 : i32
          %ne3A_408 = arith.cmpi ne, %add3A_404, %add3A_407 : i32
          %or3A_409 = arith.constant false
          %or3A_410 = arith.ori %or3A_409, %ne3A_408 : i1
          %or3A_411 = arith.constant false
          %or3A_412 = arith.ori %or3A_410, %or3A_411 : i1
          %not3A_413 = arith.constant true
          %not3A_414 = arith.xori %eq3A_218, %not3A_413 : i1
          %and3A_415 = arith.andi %or3A_412, %not3A_414 : i1
          %convert_element_type3A_416 = arith.extui %and3A_415 : i1 to i32
          %cond3A_417 = arith.constant 0 : i32
          %cond3A_418 = arith.cmpi ne, %convert_element_type3A_416, %cond3A_417 : i32
          scf.if %cond3A_418 {
            "tpu.trace_start"() <{level = 10 : i32, message = "ep_wait_out"}> : () -> ()
            %rem3A_451 = arith.constant 2 : i32
            %rem3A_452 = arith.remui %while3A_212, %rem3A_451 : i32
            %mul3A_453 = arith.constant 8 : i32
            %mul3A_454 = arith.muli %add3A_242, %mul3A_453 : i32
            %add3A_455 = arith.addi %mul3A_454, %add3A_243 : i32
            %mul3A_456 = arith.constant 128 : i32
            %mul3A_457 = arith.muli %mul3A_456, %add3A_455 : i32
            %dma_wait3A = arith.constant 0 : i32
            %dma_wait3A_458 = arith.constant 0 : i32
            %dma_wait3A_459 = tpu.memref_slice %run_scoped3A_18[%rem3A_452, %dma_wait3A, %dma_wait3A_458] : memref<2x128x128xf32, #tpu.memory_space<vmem>> -> memref<1x128x128xf32, #tpu.memory_space<vmem>>
            %dma_wait3A_460 = tpu.memref_squeeze %dma_wait3A_459 : memref<1x128x128xf32, #tpu.memory_space<vmem>> -> memref<128x128xf32, #tpu.memory_space<vmem>>
            %dma_wait3A_461 = arith.constant 0 : i32
            %dma_wait3A_462 = tpu.memref_slice %arg4[%mul3A_457, %dma_wait3A_461] : memref<2048x128xf32, #tpu.memory_space<hbm>> -> memref<128x128xf32, #tpu.memory_space<hbm>>
            %dma_wait3A_463 = tpu.memref_slice %run_scoped3A_19[%rem3A_452] : memref<2x!tpu.dma_semaphore, #tpu.memory_space<semaphore_mem>> -> memref<1x!tpu.dma_semaphore, #tpu.memory_space<semaphore_mem>>
            %dma_wait3A_464 = tpu.memref_squeeze %dma_wait3A_463 : memref<1x!tpu.dma_semaphore, #tpu.memory_space<semaphore_mem>> -> memref<!tpu.dma_semaphore, #tpu.memory_space<semaphore_mem>>
            %dma_wait3A_465 = arith.constant 0 : i32
            %dma_wait3A_466 = tpu.memref_slice %arg4[%mul3A_457, %dma_wait3A_465] : memref<2048x128xf32, #tpu.memory_space<hbm>> -> memref<128x128xf32, #tpu.memory_space<hbm>>
            %dma_wait3A_467 = arith.constant 0 : i32
            %dma_wait3A_468 = arith.constant 0 : i32
            %dma_wait3A_469 = tpu.memref_slice %run_scoped3A_18[%rem3A_452, %dma_wait3A_467, %dma_wait3A_468] : memref<2x128x128xf32, #tpu.memory_space<vmem>> -> memref<1x128x128xf32, #tpu.memory_space<vmem>>
            %dma_wait3A_470 = tpu.memref_squeeze %dma_wait3A_469 : memref<1x128x128xf32, #tpu.memory_space<vmem>> -> memref<128x128xf32, #tpu.memory_space<vmem>>
            tpu.wait_dma2 semaphore(%dma_wait3A_464 : memref<!tpu.dma_semaphore, #tpu.memory_space<semaphore_mem>>) src(%dma_wait3A_470 : memref<128x128xf32, #tpu.memory_space<vmem>>) dst(%dma_wait3A_466 : memref<128x128xf32, #tpu.memory_space<hbm>>)
            "tpu.trace_stop"() : () -> ()
          } else {
          }
          %and3A_419 = arith.constant true
          %and3A_420 = arith.andi %and3A_415, %and3A_419 : i1
          %add3A_421 = arith.constant 1 : i32
          %add3A_422 = arith.addi %while3A_212, %add3A_421 : i32
          %select_n3A_423 = arith.select %and3A_420, %add3A_422, %while3A_212 : i32
          %mul3A_424 = arith.constant 8 : i32
          %mul3A_425 = arith.muli %add3A_223, %mul3A_424 : i32
          %add3A_426 = arith.addi %mul3A_425, %add3A_224 : i32
          %mul3A_427 = arith.constant 8 : i32
          %mul3A_428 = arith.muli %add3A_259, %mul3A_427 : i32
          %add3A_429 = arith.addi %mul3A_428, %add3A_260 : i32
          %ne3A_430 = arith.cmpi ne, %add3A_426, %add3A_429 : i32
          %or3A_431 = arith.constant false
          %or3A_432 = arith.ori %or3A_431, %ne3A_430 : i1
          %or3A_433 = arith.ori %or3A_432, %eq3A_221 : i1
          %add3A_434 = arith.constant 1 : i32
          %add3A_435 = arith.addi %while3A_210, %add3A_434 : i32
          %select_n3A_436 = arith.select %or3A_433, %add3A_435, %while3A_210 : i32
          %add3A_437 = arith.constant 1 : i32
          %add3A_438 = arith.addi %while3A_214, %add3A_437 : i32
          %select_n3A_439 = arith.constant true
          %select_n3A_440 = arith.select %select_n3A_439, %add3A_438, %while3A_214 : i32
          %eq3A_441 = arith.cmpi eq, %select_n3A_440, %select_n3A : i32
          %select_n3A_442 = arith.constant 0 : i32
          %select_n3A_443 = arith.select %eq3A_441, %select_n3A_442, %select_n3A_440 : i32
          %add3A_444 = arith.constant 1 : i32
          %add3A_445 = arith.addi %while3A_213, %add3A_444 : i32
          %select_n3A_446 = arith.select %eq3A_441, %add3A_445, %while3A_213 : i32
          %eq3A_447 = arith.constant 2 : i32
          %eq3A_448 = arith.cmpi eq, %select_n3A_446, %eq3A_447 : i32
          %select_n3A_449 = arith.constant 0 : i32
          %select_n3A_450 = arith.select %eq3A_448, %select_n3A_449, %select_n3A_446 : i32
          scf.yield %select_n3A_297, %select_n3A_436, %select_n3A_384, %select_n3A_423, %select_n3A_450, %select_n3A_443 : i32, i32, i32, i32, i32, i32
        }
        %sub3A_121 = arith.constant 1 : i32
        %sub3A_122 = arith.subi %while3A_120#5, %sub3A_121 : i32
        %select_n3A_123 = arith.constant true
        %select_n3A_124 = arith.select %select_n3A_123, %sub3A_122, %while3A_120#5 : i32
        %eq3A_125 = arith.constant -1 : i32
        %eq3A_126 = arith.cmpi eq, %select_n3A_124, %eq3A_125 : i32
        %sub3A_127 = arith.constant 1 : i32
        %sub3A_128 = arith.subi %select_n3A, %sub3A_127 : i32
        %select_n3A_129 = arith.select %eq3A_126, %sub3A_128, %select_n3A_124 : i32
        %sub3A_130 = arith.constant 1 : i32
        %sub3A_131 = arith.subi %while3A_120#4, %sub3A_130 : i32
        %select_n3A_132 = arith.select %eq3A_126, %sub3A_131, %while3A_120#4 : i32
        %eq3A_133 = arith.constant -1 : i32
        %eq3A_134 = arith.cmpi eq, %select_n3A_132, %eq3A_133 : i32
        %select_n3A_135 = arith.constant 1 : i32
        %select_n3A_136 = arith.select %eq3A_134, %select_n3A_135, %select_n3A_132 : i32
        %sub3A_137 = arith.constant 1 : i32
        %sub3A_138 = arith.subi %mul3A_16, %sub3A_137 : i32
        %mul3A_139 = arith.constant 2 : i32
        %mul3A_140 = arith.muli %mul3A_139, %select_n3A : i32
        %eq3A_141 = arith.constant 0 : i32
        %eq3A_142 = arith.cmpi eq, %sub3A_138, %eq3A_141 : i32
        %sub3A_143 = arith.constant 1 : i32
        %sub3A_144 = arith.subi %mul3A_140, %sub3A_143 : i32
        %eq3A_145 = arith.cmpi eq, %sub3A_138, %sub3A_144 : i32
        %add3A_146 = arith.constant 0 : i32
        %add3A_147 = arith.addi %select_n3A_136, %add3A_146 : i32
        %add3A_148 = arith.addi %select_n3A_129, %select_n3A_14 : i32
        %sub3A_149 = arith.constant 1 : i32
        %sub3A_150 = arith.subi %select_n3A_129, %sub3A_149 : i32
        %select_n3A_151 = arith.constant true
        %select_n3A_152 = arith.select %select_n3A_151, %sub3A_150, %select_n3A_129 : i32
        %eq3A_153 = arith.constant -1 : i32
        %eq3A_154 = arith.cmpi eq, %select_n3A_152, %eq3A_153 : i32
        %sub3A_155 = arith.constant 1 : i32
        %sub3A_156 = arith.subi %select_n3A, %sub3A_155 : i32
        %select_n3A_157 = arith.select %eq3A_154, %sub3A_156, %select_n3A_152 : i32
        %sub3A_158 = arith.constant 1 : i32
        %sub3A_159 = arith.subi %select_n3A_136, %sub3A_158 : i32
        %select_n3A_160 = arith.select %eq3A_154, %sub3A_159, %select_n3A_136 : i32
        %eq3A_161 = arith.constant -1 : i32
        %eq3A_162 = arith.cmpi eq, %select_n3A_160, %eq3A_161 : i32
        %select_n3A_163 = arith.constant 1 : i32
        %select_n3A_164 = arith.select %eq3A_162, %select_n3A_163, %select_n3A_160 : i32
        %add3A_165 = arith.constant 0 : i32
        %add3A_166 = arith.addi %select_n3A_164, %add3A_165 : i32
        %add3A_167 = arith.addi %select_n3A_157, %select_n3A_14 : i32
        %add3A_168 = arith.constant 1 : i32
        %add3A_169 = arith.addi %select_n3A_129, %add3A_168 : i32
        %select_n3A_170 = arith.constant true
        %select_n3A_171 = arith.select %select_n3A_170, %add3A_169, %select_n3A_129 : i32
        %eq3A_172 = arith.cmpi eq, %select_n3A_171, %select_n3A : i32
        %select_n3A_173 = arith.constant 0 : i32
        %select_n3A_174 = arith.select %eq3A_172, %select_n3A_173, %select_n3A_171 : i32
        %add3A_175 = arith.constant 1 : i32
        %add3A_176 = arith.addi %select_n3A_136, %add3A_175 : i32
        %select_n3A_177 = arith.select %eq3A_172, %add3A_176, %select_n3A_136 : i32
        %eq3A_178 = arith.constant 2 : i32
        %eq3A_179 = arith.cmpi eq, %select_n3A_177, %eq3A_178 : i32
        %select_n3A_180 = arith.constant 0 : i32
        %select_n3A_181 = arith.select %eq3A_179, %select_n3A_180, %select_n3A_177 : i32
        %add3A_182 = arith.constant 0 : i32
        %add3A_183 = arith.addi %select_n3A_181, %add3A_182 : i32
        %add3A_184 = arith.addi %select_n3A_174, %select_n3A_14 : i32
        %add3A_185 = arith.constant 1 : i32
        %add3A_186 = arith.addi %select_n3A_174, %add3A_185 : i32
        %select_n3A_187 = arith.constant true
        %select_n3A_188 = arith.select %select_n3A_187, %add3A_186, %select_n3A_174 : i32
        %eq3A_189 = arith.cmpi eq, %select_n3A_188, %select_n3A : i32
        %select_n3A_190 = arith.constant 0 : i32
        %select_n3A_191 = arith.select %eq3A_189, %select_n3A_190, %select_n3A_188 : i32
        %add3A_192 = arith.constant 1 : i32
        %add3A_193 = arith.addi %select_n3A_181, %add3A_192 : i32
        %select_n3A_194 = arith.select %eq3A_189, %add3A_193, %select_n3A_181 : i32
        %eq3A_195 = arith.constant 2 : i32
        %eq3A_196 = arith.cmpi eq, %select_n3A_194, %eq3A_195 : i32
        %select_n3A_197 = arith.constant 0 : i32
        %select_n3A_198 = arith.select %eq3A_196, %select_n3A_197, %select_n3A_194 : i32
        %add3A_199 = arith.constant 0 : i32
        %add3A_200 = arith.addi %select_n3A_198, %add3A_199 : i32
        %add3A_201 = arith.addi %select_n3A_191, %select_n3A_14 : i32
        %convert_element_type3A_202 = arith.extui %eq3A_145 : i1 to i32
        %cond3A_203 = arith.constant 0 : i32
        %cond3A_204 = arith.cmpi ne, %convert_element_type3A_202, %cond3A_203 : i32
        scf.if %cond3A_204 {
        } else {
        }
        %convert_element_type3A_205 = arith.extui %eq3A_145 : i1 to i32
        %cond3A_206 = arith.constant 0 : i32
        %cond3A_207 = arith.cmpi ne, %convert_element_type3A_205, %cond3A_206 : i32
        scf.if %cond3A_207 {
          "tpu.trace_start"() <{level = 10 : i32, message = "ep_finalize"}> : () -> ()
          %rem3A_208 = arith.constant 2 : i32
          %rem3A_209 = arith.remui %while3A_120#3, %rem3A_208 : i32
          %mul3A_210 = arith.constant 8 : i32
          %mul3A_211 = arith.muli %add3A_147, %mul3A_210 : i32
          %add3A_212 = arith.addi %mul3A_211, %add3A_148 : i32
          %mul3A_213 = arith.constant 128 : i32
          %mul3A_214 = arith.muli %mul3A_213, %add3A_212 : i32
          %dma_wait3A = arith.constant 0 : i32
          %dma_wait3A_215 = arith.constant 0 : i32
          %dma_wait3A_216 = tpu.memref_slice %run_scoped3A_18[%rem3A_209, %dma_wait3A, %dma_wait3A_215] : memref<2x128x128xf32, #tpu.memory_space<vmem>> -> memref<1x128x128xf32, #tpu.memory_space<vmem>>
          %dma_wait3A_217 = tpu.memref_squeeze %dma_wait3A_216 : memref<1x128x128xf32, #tpu.memory_space<vmem>> -> memref<128x128xf32, #tpu.memory_space<vmem>>
          %dma_wait3A_218 = arith.constant 0 : i32
          %dma_wait3A_219 = tpu.memref_slice %arg4[%mul3A_214, %dma_wait3A_218] : memref<2048x128xf32, #tpu.memory_space<hbm>> -> memref<128x128xf32, #tpu.memory_space<hbm>>
          %dma_wait3A_220 = tpu.memref_slice %run_scoped3A_19[%rem3A_209] : memref<2x!tpu.dma_semaphore, #tpu.memory_space<semaphore_mem>> -> memref<1x!tpu.dma_semaphore, #tpu.memory_space<semaphore_mem>>
          %dma_wait3A_221 = tpu.memref_squeeze %dma_wait3A_220 : memref<1x!tpu.dma_semaphore, #tpu.memory_space<semaphore_mem>> -> memref<!tpu.dma_semaphore, #tpu.memory_space<semaphore_mem>>
          %dma_wait3A_222 = arith.constant 0 : i32
          %dma_wait3A_223 = tpu.memref_slice %arg4[%mul3A_214, %dma_wait3A_222] : memref<2048x128xf32, #tpu.memory_space<hbm>> -> memref<128x128xf32, #tpu.memory_space<hbm>>
          %dma_wait3A_224 = arith.constant 0 : i32
          %dma_wait3A_225 = arith.constant 0 : i32
          %dma_wait3A_226 = tpu.memref_slice %run_scoped3A_18[%rem3A_209, %dma_wait3A_224, %dma_wait3A_225] : memref<2x128x128xf32, #tpu.memory_space<vmem>> -> memref<1x128x128xf32, #tpu.memory_space<vmem>>
          %dma_wait3A_227 = tpu.memref_squeeze %dma_wait3A_226 : memref<1x128x128xf32, #tpu.memory_space<vmem>> -> memref<128x128xf32, #tpu.memory_space<vmem>>
          tpu.wait_dma2 semaphore(%dma_wait3A_221 : memref<!tpu.dma_semaphore, #tpu.memory_space<semaphore_mem>>) src(%dma_wait3A_227 : memref<128x128xf32, #tpu.memory_space<vmem>>) dst(%dma_wait3A_223 : memref<128x128xf32, #tpu.memory_space<hbm>>)
          "tpu.trace_stop"() : () -> ()
        } else {
        }
      } else {
      }
      tpu.yield
    }) : () -> ()
    return
  }
}

module attributes {stable_mosaic.version = 14 : i64} {
  func.func @_scan_body(%arg0: i32, %arg1: memref<256x16xf32, #tpu.memory_space<vmem>>, %arg2: memref<20000x128xf32, #tpu.memory_space<vmem>>, %arg3: memref<1x16x2xi32, #tpu.memory_space<vmem>>) attributes {dimension_semantics = [#tpu.dimension_semantics<arbitrary>], iteration_bounds = array<i64: 50>, scalar_prefetch = 0 : i64, scratch_operands = 0 : i64, tpu.core_type = #tpu.core_type<tc>, window_params = [{pipeline_mode = #tpu.pipeline_mode<synchronous>, transform_indices = @transform_0, window_bounds = array<i64: 256, 16>}, {transform_indices = @transform_1, window_bounds = array<i64: 20000, 128>}, {transform_indices = @transform_2, window_bounds = array<i64: 1, 16, 2>}]} {
    %get3A = arith.constant 0 : index
    %get3A_0 = arith.constant 0 : index
    %get3A_1 = vector.load %arg2[%get3A, %get3A_0] : memref<20000x128xf32, #tpu.memory_space<vmem>>, vector<20000x128xf32>
    %mul3A = arith.mulf %get3A_1, %get3A_1 : vector<20000x128xf32>
    %concatenate3A = tpu.concatenate %get3A_1, %mul3A in 1 : vector<20000x128xf32>, vector<20000x128xf32> -> vector<20000x256xf32>
    %get3A_2 = arith.constant 0 : index
    %get3A_3 = arith.constant 0 : index
    %get3A_4 = vector.load %arg1[%get3A_2, %get3A_3] : memref<256x16xf32, #tpu.memory_space<vmem>>, vector<256x16xf32>
    %dot_general3A = arith.constant dense<0.000000e+00> : vector<20000x16xf32>
    %dot_general3A_5 = tpu.matmul %concatenate3A, %get3A_4, %dot_general3A {dimension_numbers = #tpu.dot_dimension_numbers<[1], [0], [0], [1], [0, 0, 1, 1], [], []>, transpose_lhs_hint = false} : vector<20000x256xf32>, vector<256x16xf32>, vector<20000x16xf32> -> vector<20000x16xf32>
    %transpose3A = tpu.transpose %dot_general3A_5, [1, 0] : vector<20000x16xf32> -> vector<16x20000xf32>
    %iota3A = tpu.iota {dimensions = array<i32: 1>} : vector<16x20000xi32>
    %reduce_min3A = arith.constant dense<0x7F800000> : vector<16xf32>
    %reduce_min3A_6 = vector.multi_reduction <minimumf>, %transpose3A, %reduce_min3A [1] : vector<16x20000xf32> to vector<16xf32>
    %broadcast_in_dim3A = vector.shape_cast %reduce_min3A_6 : vector<16xf32> to vector<16x1xf32>
    %eq3A = vector.broadcast %broadcast_in_dim3A : vector<16x1xf32> to vector<16x20000xf32>
    %eq3A_7 = arith.cmpf oeq, %transpose3A, %eq3A : vector<16x20000xf32>
    %jit3A = arith.constant 20000 : i32
    %broadcast_in_dim3A_8 = vector.broadcast %jit3A : i32 to vector<16x20000xi32>
    %select_n3A = arith.select %eq3A_7, %iota3A, %broadcast_in_dim3A_8 : vector<16x20000xi1>, vector<16x20000xi32>
    %reduce_min3A_9 = arith.constant dense<2147483647> : vector<16xi32>
    %reduce_min3A_10 = vector.multi_reduction <minsi>, %select_n3A, %reduce_min3A_9 [1] : vector<16x20000xi32> to vector<16xi32>
    %broadcast_in_dim3A_11 = vector.shape_cast %reduce_min3A_10 : vector<16xi32> to vector<16x1xi32>
    %eq3A_12 = vector.broadcast %broadcast_in_dim3A : vector<16x1xf32> to vector<16x20000xf32>
    %eq3A_13 = arith.cmpf oeq, %transpose3A, %eq3A_12 : vector<16x20000xf32>
    %jit3A_14 = arith.constant 0x7F800000 : f32
    %broadcast_in_dim3A_15 = vector.broadcast %jit3A_14 : f32 to vector<16x20000xf32>
    %select_n3A_16 = arith.select %eq3A_13, %broadcast_in_dim3A_15, %transpose3A : vector<16x20000xi1>, vector<16x20000xf32>
    %reduce_min3A_17 = arith.constant dense<0x7F800000> : vector<16xf32>
    %reduce_min3A_18 = vector.multi_reduction <minimumf>, %select_n3A_16, %reduce_min3A_17 [1] : vector<16x20000xf32> to vector<16xf32>
    %broadcast_in_dim3A_19 = vector.shape_cast %reduce_min3A_18 : vector<16xf32> to vector<16x1xf32>
    %eq3A_20 = vector.broadcast %broadcast_in_dim3A_19 : vector<16x1xf32> to vector<16x20000xf32>
    %eq3A_21 = arith.cmpf oeq, %select_n3A_16, %eq3A_20 : vector<16x20000xf32>
    %jit3A_22 = arith.constant 20000 : i32
    %broadcast_in_dim3A_23 = vector.broadcast %jit3A_22 : i32 to vector<16x20000xi32>
    %select_n3A_24 = arith.select %eq3A_21, %iota3A, %broadcast_in_dim3A_23 : vector<16x20000xi1>, vector<16x20000xi32>
    %reduce_min3A_25 = arith.constant dense<2147483647> : vector<16xi32>
    %reduce_min3A_26 = vector.multi_reduction <minsi>, %select_n3A_24, %reduce_min3A_25 [1] : vector<16x20000xi32> to vector<16xi32>
    %broadcast_in_dim3A_27 = vector.shape_cast %reduce_min3A_26 : vector<16xi32> to vector<16x1xi32>
    %mul3A_28 = arith.constant 20000 : i32
    %mul3A_29 = arith.muli %arg0, %mul3A_28 : i32
    %add3A = vector.broadcast %mul3A_29 : i32 to vector<16x1xi32>
    %add3A_30 = arith.addi %broadcast_in_dim3A_11, %add3A : vector<16x1xi32>
    %add3A_31 = vector.broadcast %mul3A_29 : i32 to vector<16x1xi32>
    %add3A_32 = arith.addi %broadcast_in_dim3A_27, %add3A_31 : vector<16x1xi32>
    %concatenate3A_33 = tpu.concatenate %add3A_30, %add3A_32 in 1 : vector<16x1xi32>, vector<16x1xi32> -> vector<16x2xi32>
    %swap3A = arith.constant 0 : index
    %swap3A_34 = arith.constant 0 : index
    %swap3A_35 = arith.constant 0 : index
    %swap3A_36 = vector.load %arg3[%swap3A, %swap3A_34, %swap3A_35] : memref<1x16x2xi32, #tpu.memory_space<vmem>>, vector<1x16x2xi32>
    %swap3A_37 = vector.shape_cast %swap3A_36 : vector<1x16x2xi32> to vector<16x2xi32>
    %swap3A_38 = vector.shape_cast %concatenate3A_33 : vector<16x2xi32> to vector<1x16x2xi32>
    tpu.vector_store %arg3[%swap3A, %swap3A_34, %swap3A_35], %swap3A_38 {strides = array<i32>} : memref<1x16x2xi32, #tpu.memory_space<vmem>>, vector<1x16x2xi32>,
    return
  }
  func.func @transform_0(%arg0: i32) -> (i32, i32) {
    %c0_i32 = arith.constant 0 : i32
    %c0_i32_0 = arith.constant 0 : i32
    %c0_i32_1 = arith.constant 0 : i32
    return %c0_i32, %c0_i32_0 : i32, i32
  }
  func.func @transform_1(%arg0: i32) -> (i32, i32) {
    %c0_i32 = arith.constant 0 : i32
    %c0_i32_0 = arith.constant 0 : i32
    return %arg0, %c0_i32 : i32, i32
  }
  func.func @transform_2(%arg0: i32) -> (i32, i32, i32) {
    %c0_i32 = arith.constant 0 : i32
    %c0_i32_0 = arith.constant 0 : i32
    %c0_i32_1 = arith.constant 0 : i32
    return %arg0, %c0_i32, %c0_i32_0 : i32, i32, i32
  }
}

module attributes {stable_mosaic.version = 14 : i64} {
  func.func @_rescore_body(%arg0: memref<2048x128xf32, #tpu.memory_space<vmem>>, %arg1: memref<16x128xf32, #tpu.memory_space<vmem>>, %arg2: memref<128x16xi32, #tpu.memory_space<vmem>>, %arg3: memref<16x1xf32, #tpu.memory_space<vmem>>, %arg4: memref<16x1xi32, #tpu.memory_space<vmem>>) attributes {dimension_semantics = [], scalar_prefetch = 0 : i64, scratch_operands = 0 : i64, tpu.core_type = #tpu.core_type<tc>} {
    %get3A = arith.constant 0 : index
    %get3A_0 = arith.constant 0 : index
    %get3A_1 = vector.load %arg0[%get3A, %get3A_0] : memref<2048x128xf32, #tpu.memory_space<vmem>>, vector<2048x128xf32>
    %get3A_2 = arith.constant 0 : index
    %get3A_3 = arith.constant 0 : index
    %get3A_4 = vector.load %arg1[%get3A_2, %get3A_3] : memref<16x128xf32, #tpu.memory_space<vmem>>, vector<16x128xf32>
    %dot_general3A = arith.constant dense<0.000000e+00> : vector<2048x16xf32>
    %dot_general3A_5 = tpu.matmul %get3A_1, %get3A_4, %dot_general3A {dimension_numbers = #tpu.dot_dimension_numbers<[1], [1], [0], [0], [0, 0, 1, 0], [], []>, transpose_lhs_hint = false} : vector<2048x128xf32>, vector<16x128xf32>, vector<2048x16xf32> -> vector<2048x16xf32>
    %mul3A = arith.mulf %get3A_1, %get3A_1 : vector<2048x128xf32>
    %reduce_sum3A = arith.constant dense<0.000000e+00> : vector<2048xf32>
    %reduce_sum3A_6 = vector.multi_reduction <add>, %mul3A, %reduce_sum3A [1] : vector<2048x128xf32> to vector<2048xf32>
    %broadcast_in_dim3A = vector.shape_cast %reduce_sum3A_6 : vector<2048xf32> to vector<2048x1xf32>
    %mul3A_7 = arith.mulf %get3A_4, %get3A_4 : vector<16x128xf32>
    %reduce_sum3A_8 = arith.constant dense<0.000000e+00> : vector<16xf32>
    %reduce_sum3A_9 = vector.multi_reduction <add>, %mul3A_7, %reduce_sum3A_8 [1] : vector<16x128xf32> to vector<16xf32>
    %broadcast_in_dim3A_10 = vector.shape_cast %reduce_sum3A_9 : vector<16xf32> to vector<16x1xf32>
    %slice3A = vector.extract_strided_slice %broadcast_in_dim3A_10 {offsets = [0, 0], sizes = [1, 1], strides = [1, 1]} : vector<16x1xf32> to vector<1x1xf32>
    %squeeze3A = vector.extract %slice3A[0, 0] : f32 from vector<1x1xf32>
    %slice3A_11 = vector.extract_strided_slice %dot_general3A_5 {offsets = [0, 0], sizes = [128, 1], strides = [1, 1]} : vector<2048x16xf32> to vector<128x1xf32>
    %mul3A_12 = arith.constant 2.000000e+00 : f32
    %mul3A_13 = vector.broadcast %mul3A_12 : f32 to vector<128x1xf32>
    %mul3A_14 = arith.mulf %mul3A_13, %slice3A_11 : vector<128x1xf32>
    %sub3A = vector.broadcast %squeeze3A : f32 to vector<128x1xf32>
    %sub3A_15 = arith.subf %sub3A, %mul3A_14 : vector<128x1xf32>
    %slice3A_16 = vector.extract_strided_slice %broadcast_in_dim3A {offsets = [0, 0], sizes = [128, 1], strides = [1, 1]} : vector<2048x1xf32> to vector<128x1xf32>
    %add3A = arith.addf %sub3A_15, %slice3A_16 : vector<128x1xf32>
    %reduce_min3A = arith.constant dense<0x7F800000> : vector<1xf32>
    %reduce_min3A_17 = vector.multi_reduction <minimumf>, %add3A, %reduce_min3A [0] : vector<128x1xf32> to vector<1xf32>
    %broadcast_in_dim3A_18 = vector.shape_cast %reduce_min3A_17 : vector<1xf32> to vector<1x1xf32>
    %get3A_19 = arith.constant 0 : index
    %get3A_20 = arith.constant 0 : index
    %get3A_21 = vector.load %arg2[%get3A_19, %get3A_20] : memref<128x16xi32, #tpu.memory_space<vmem>>, vector<128x1xi32>
    %eq3A = vector.broadcast %broadcast_in_dim3A_18 : vector<1x1xf32> to vector<128x1xf32>
    %eq3A_22 = arith.cmpf oeq, %add3A, %eq3A : vector<128x1xf32>
    %jit3A = arith.constant 1073741824 : i32
    %broadcast_in_dim3A_23 = vector.broadcast %jit3A : i32 to vector<128x1xi32>
    %select_n3A = arith.select %eq3A_22, %get3A_21, %broadcast_in_dim3A_23 : vector<128x1xi1>, vector<128x1xi32>
    %reduce_min3A_24 = arith.constant dense<2147483647> : vector<1xi32>
    %reduce_min3A_25 = vector.multi_reduction <minsi>, %select_n3A, %reduce_min3A_24 [0] : vector<128x1xi32> to vector<1xi32>
    %broadcast_in_dim3A_26 = vector.shape_cast %reduce_min3A_25 : vector<1xi32> to vector<1x1xi32>
    %swap3A = arith.constant 0 : index
    %swap3A_27 = arith.constant 0 : index
    %swap3A_28 = vector.load %arg3[%swap3A, %swap3A_27] : memref<16x1xf32, #tpu.memory_space<vmem>>, vector<1x1xf32>
    tpu.vector_store %arg3[%swap3A, %swap3A_27], %broadcast_in_dim3A_18 {strides = array<i32>} : memref<16x1xf32, #tpu.memory_space<vmem>>, vector<1x1xf32>,
    %swap3A_29 = arith.constant 0 : index
    %swap3A_30 = arith.constant 0 : index
    %swap3A_31 = vector.load %arg4[%swap3A_29, %swap3A_30] : memref<16x1xi32, #tpu.memory_space<vmem>>, vector<1x1xi32>
    tpu.vector_store %arg4[%swap3A_29, %swap3A_30], %broadcast_in_dim3A_26 {strides = array<i32>} : memref<16x1xi32, #tpu.memory_space<vmem>>, vector<1x1xi32>,
    %slice3A_32 = vector.extract_strided_slice %broadcast_in_dim3A_10 {offsets = [1, 0], sizes = [1, 1], strides = [1, 1]} : vector<16x1xf32> to vector<1x1xf32>
    %squeeze3A_33 = vector.extract %slice3A_32[0, 0] : f32 from vector<1x1xf32>
    %slice3A_34 = vector.extract_strided_slice %dot_general3A_5 {offsets = [128, 1], sizes = [128, 1], strides = [1, 1]} : vector<2048x16xf32> to vector<128x1xf32>
    %mul3A_35 = arith.constant 2.000000e+00 : f32
    %mul3A_36 = vector.broadcast %mul3A_35 : f32 to vector<128x1xf32>
    %mul3A_37 = arith.mulf %mul3A_36, %slice3A_34 : vector<128x1xf32>
    %sub3A_38 = vector.broadcast %squeeze3A_33 : f32 to vector<128x1xf32>
    %sub3A_39 = arith.subf %sub3A_38, %mul3A_37 : vector<128x1xf32>
    %slice3A_40 = vector.extract_strided_slice %broadcast_in_dim3A {offsets = [128, 0], sizes = [128, 1], strides = [1, 1]} : vector<2048x1xf32> to vector<128x1xf32>
    %add3A_41 = arith.addf %sub3A_39, %slice3A_40 : vector<128x1xf32>
    %reduce_min3A_42 = arith.constant dense<0x7F800000> : vector<1xf32>
    %reduce_min3A_43 = vector.multi_reduction <minimumf>, %add3A_41, %reduce_min3A_42 [0] : vector<128x1xf32> to vector<1xf32>
    %broadcast_in_dim3A_44 = vector.shape_cast %reduce_min3A_43 : vector<1xf32> to vector<1x1xf32>
    %get3A_45 = arith.constant 0 : index
    %get3A_46 = arith.constant 1 : index
    %get3A_47 = vector.load %arg2[%get3A_45, %get3A_46] : memref<128x16xi32, #tpu.memory_space<vmem>>, vector<128x1xi32>
    %eq3A_48 = vector.broadcast %broadcast_in_dim3A_44 : vector<1x1xf32> to vector<128x1xf32>
    %eq3A_49 = arith.cmpf oeq, %add3A_41, %eq3A_48 : vector<128x1xf32>
    %jit3A_50 = arith.constant 1073741824 : i32
    %broadcast_in_dim3A_51 = vector.broadcast %jit3A_50 : i32 to vector<128x1xi32>
    %select_n3A_52 = arith.select %eq3A_49, %get3A_47, %broadcast_in_dim3A_51 : vector<128x1xi1>, vector<128x1xi32>
    %reduce_min3A_53 = arith.constant dense<2147483647> : vector<1xi32>
    %reduce_min3A_54 = vector.multi_reduction <minsi>, %select_n3A_52, %reduce_min3A_53 [0] : vector<128x1xi32> to vector<1xi32>
    %broadcast_in_dim3A_55 = vector.shape_cast %reduce_min3A_54 : vector<1xi32> to vector<1x1xi32>
    %swap3A_56 = arith.constant 1 : index
    %swap3A_57 = arith.constant 0 : index
    %swap3A_58 = vector.load %arg3[%swap3A_56, %swap3A_57] : memref<16x1xf32, #tpu.memory_space<vmem>>, vector<1x1xf32>
    tpu.vector_store %arg3[%swap3A_56, %swap3A_57], %broadcast_in_dim3A_44 {strides = array<i32>} : memref<16x1xf32, #tpu.memory_space<vmem>>, vector<1x1xf32>,
    %swap3A_59 = arith.constant 1 : index
    %swap3A_60 = arith.constant 0 : index
    %swap3A_61 = vector.load %arg4[%swap3A_59, %swap3A_60] : memref<16x1xi32, #tpu.memory_space<vmem>>, vector<1x1xi32>
    tpu.vector_store %arg4[%swap3A_59, %swap3A_60], %broadcast_in_dim3A_55 {strides = array<i32>} : memref<16x1xi32, #tpu.memory_space<vmem>>, vector<1x1xi32>,
    %slice3A_62 = vector.extract_strided_slice %broadcast_in_dim3A_10 {offsets = [2, 0], sizes = [1, 1], strides = [1, 1]} : vector<16x1xf32> to vector<1x1xf32>
    %squeeze3A_63 = vector.extract %slice3A_62[0, 0] : f32 from vector<1x1xf32>
    %slice3A_64 = vector.extract_strided_slice %dot_general3A_5 {offsets = [256, 2], sizes = [128, 1], strides = [1, 1]} : vector<2048x16xf32> to vector<128x1xf32>
    %mul3A_65 = arith.constant 2.000000e+00 : f32
    %mul3A_66 = vector.broadcast %mul3A_65 : f32 to vector<128x1xf32>
    %mul3A_67 = arith.mulf %mul3A_66, %slice3A_64 : vector<128x1xf32>
    %sub3A_68 = vector.broadcast %squeeze3A_63 : f32 to vector<128x1xf32>
    %sub3A_69 = arith.subf %sub3A_68, %mul3A_67 : vector<128x1xf32>
    %slice3A_70 = vector.extract_strided_slice %broadcast_in_dim3A {offsets = [256, 0], sizes = [128, 1], strides = [1, 1]} : vector<2048x1xf32> to vector<128x1xf32>
    %add3A_71 = arith.addf %sub3A_69, %slice3A_70 : vector<128x1xf32>
    %reduce_min3A_72 = arith.constant dense<0x7F800000> : vector<1xf32>
    %reduce_min3A_73 = vector.multi_reduction <minimumf>, %add3A_71, %reduce_min3A_72 [0] : vector<128x1xf32> to vector<1xf32>
    %broadcast_in_dim3A_74 = vector.shape_cast %reduce_min3A_73 : vector<1xf32> to vector<1x1xf32>
    %get3A_75 = arith.constant 0 : index
    %get3A_76 = arith.constant 2 : index
    %get3A_77 = vector.load %arg2[%get3A_75, %get3A_76] : memref<128x16xi32, #tpu.memory_space<vmem>>, vector<128x1xi32>
    %eq3A_78 = vector.broadcast %broadcast_in_dim3A_74 : vector<1x1xf32> to vector<128x1xf32>
    %eq3A_79 = arith.cmpf oeq, %add3A_71, %eq3A_78 : vector<128x1xf32>
    %jit3A_80 = arith.constant 1073741824 : i32
    %broadcast_in_dim3A_81 = vector.broadcast %jit3A_80 : i32 to vector<128x1xi32>
    %select_n3A_82 = arith.select %eq3A_79, %get3A_77, %broadcast_in_dim3A_81 : vector<128x1xi1>, vector<128x1xi32>
    %reduce_min3A_83 = arith.constant dense<2147483647> : vector<1xi32>
    %reduce_min3A_84 = vector.multi_reduction <minsi>, %select_n3A_82, %reduce_min3A_83 [0] : vector<128x1xi32> to vector<1xi32>
    %broadcast_in_dim3A_85 = vector.shape_cast %reduce_min3A_84 : vector<1xi32> to vector<1x1xi32>
    %swap3A_86 = arith.constant 2 : index
    %swap3A_87 = arith.constant 0 : index
    %swap3A_88 = vector.load %arg3[%swap3A_86, %swap3A_87] : memref<16x1xf32, #tpu.memory_space<vmem>>, vector<1x1xf32>
    tpu.vector_store %arg3[%swap3A_86, %swap3A_87], %broadcast_in_dim3A_74 {strides = array<i32>} : memref<16x1xf32, #tpu.memory_space<vmem>>, vector<1x1xf32>,
    %swap3A_89 = arith.constant 2 : index
    %swap3A_90 = arith.constant 0 : index
    %swap3A_91 = vector.load %arg4[%swap3A_89, %swap3A_90] : memref<16x1xi32, #tpu.memory_space<vmem>>, vector<1x1xi32>
    tpu.vector_store %arg4[%swap3A_89, %swap3A_90], %broadcast_in_dim3A_85 {strides = array<i32>} : memref<16x1xi32, #tpu.memory_space<vmem>>, vector<1x1xi32>,
    %slice3A_92 = vector.extract_strided_slice %broadcast_in_dim3A_10 {offsets = [3, 0], sizes = [1, 1], strides = [1, 1]} : vector<16x1xf32> to vector<1x1xf32>
    %squeeze3A_93 = vector.extract %slice3A_92[0, 0] : f32 from vector<1x1xf32>
    %slice3A_94 = vector.extract_strided_slice %dot_general3A_5 {offsets = [384, 3], sizes = [128, 1], strides = [1, 1]} : vector<2048x16xf32> to vector<128x1xf32>
    %mul3A_95 = arith.constant 2.000000e+00 : f32
    %mul3A_96 = vector.broadcast %mul3A_95 : f32 to vector<128x1xf32>
    %mul3A_97 = arith.mulf %mul3A_96, %slice3A_94 : vector<128x1xf32>
    %sub3A_98 = vector.broadcast %squeeze3A_93 : f32 to vector<128x1xf32>
    %sub3A_99 = arith.subf %sub3A_98, %mul3A_97 : vector<128x1xf32>
    %slice3A_100 = vector.extract_strided_slice %broadcast_in_dim3A {offsets = [384, 0], sizes = [128, 1], strides = [1, 1]} : vector<2048x1xf32> to vector<128x1xf32>
    %add3A_101 = arith.addf %sub3A_99, %slice3A_100 : vector<128x1xf32>
    %reduce_min3A_102 = arith.constant dense<0x7F800000> : vector<1xf32>
    %reduce_min3A_103 = vector.multi_reduction <minimumf>, %add3A_101, %reduce_min3A_102 [0] : vector<128x1xf32> to vector<1xf32>
    %broadcast_in_dim3A_104 = vector.shape_cast %reduce_min3A_103 : vector<1xf32> to vector<1x1xf32>
    %get3A_105 = arith.constant 0 : index
    %get3A_106 = arith.constant 3 : index
    %get3A_107 = vector.load %arg2[%get3A_105, %get3A_106] : memref<128x16xi32, #tpu.memory_space<vmem>>, vector<128x1xi32>
    %eq3A_108 = vector.broadcast %broadcast_in_dim3A_104 : vector<1x1xf32> to vector<128x1xf32>
    %eq3A_109 = arith.cmpf oeq, %add3A_101, %eq3A_108 : vector<128x1xf32>
    %jit3A_110 = arith.constant 1073741824 : i32
    %broadcast_in_dim3A_111 = vector.broadcast %jit3A_110 : i32 to vector<128x1xi32>
    %select_n3A_112 = arith.select %eq3A_109, %get3A_107, %broadcast_in_dim3A_111 : vector<128x1xi1>, vector<128x1xi32>
    %reduce_min3A_113 = arith.constant dense<2147483647> : vector<1xi32>
    %reduce_min3A_114 = vector.multi_reduction <minsi>, %select_n3A_112, %reduce_min3A_113 [0] : vector<128x1xi32> to vector<1xi32>
    %broadcast_in_dim3A_115 = vector.shape_cast %reduce_min3A_114 : vector<1xi32> to vector<1x1xi32>
    %swap3A_116 = arith.constant 3 : index
    %swap3A_117 = arith.constant 0 : index
    %swap3A_118 = vector.load %arg3[%swap3A_116, %swap3A_117] : memref<16x1xf32, #tpu.memory_space<vmem>>, vector<1x1xf32>
    tpu.vector_store %arg3[%swap3A_116, %swap3A_117], %broadcast_in_dim3A_104 {strides = array<i32>} : memref<16x1xf32, #tpu.memory_space<vmem>>, vector<1x1xf32>,
    %swap3A_119 = arith.constant 3 : index
    %swap3A_120 = arith.constant 0 : index
    %swap3A_121 = vector.load %arg4[%swap3A_119, %swap3A_120] : memref<16x1xi32, #tpu.memory_space<vmem>>, vector<1x1xi32>
    tpu.vector_store %arg4[%swap3A_119, %swap3A_120], %broadcast_in_dim3A_115 {strides = array<i32>} : memref<16x1xi32, #tpu.memory_space<vmem>>, vector<1x1xi32>,
    %slice3A_122 = vector.extract_strided_slice %broadcast_in_dim3A_10 {offsets = [4, 0], sizes = [1, 1], strides = [1, 1]} : vector<16x1xf32> to vector<1x1xf32>
    %squeeze3A_123 = vector.extract %slice3A_122[0, 0] : f32 from vector<1x1xf32>
    %slice3A_124 = vector.extract_strided_slice %dot_general3A_5 {offsets = [512, 4], sizes = [128, 1], strides = [1, 1]} : vector<2048x16xf32> to vector<128x1xf32>
    %mul3A_125 = arith.constant 2.000000e+00 : f32
    %mul3A_126 = vector.broadcast %mul3A_125 : f32 to vector<128x1xf32>
    %mul3A_127 = arith.mulf %mul3A_126, %slice3A_124 : vector<128x1xf32>
    %sub3A_128 = vector.broadcast %squeeze3A_123 : f32 to vector<128x1xf32>
    %sub3A_129 = arith.subf %sub3A_128, %mul3A_127 : vector<128x1xf32>
    %slice3A_130 = vector.extract_strided_slice %broadcast_in_dim3A {offsets = [512, 0], sizes = [128, 1], strides = [1, 1]} : vector<2048x1xf32> to vector<128x1xf32>
    %add3A_131 = arith.addf %sub3A_129, %slice3A_130 : vector<128x1xf32>
    %reduce_min3A_132 = arith.constant dense<0x7F800000> : vector<1xf32>
    %reduce_min3A_133 = vector.multi_reduction <minimumf>, %add3A_131, %reduce_min3A_132 [0] : vector<128x1xf32> to vector<1xf32>
    %broadcast_in_dim3A_134 = vector.shape_cast %reduce_min3A_133 : vector<1xf32> to vector<1x1xf32>
    %get3A_135 = arith.constant 0 : index
    %get3A_136 = arith.constant 4 : index
    %get3A_137 = vector.load %arg2[%get3A_135, %get3A_136] : memref<128x16xi32, #tpu.memory_space<vmem>>, vector<128x1xi32>
    %eq3A_138 = vector.broadcast %broadcast_in_dim3A_134 : vector<1x1xf32> to vector<128x1xf32>
    %eq3A_139 = arith.cmpf oeq, %add3A_131, %eq3A_138 : vector<128x1xf32>
    %jit3A_140 = arith.constant 1073741824 : i32
    %broadcast_in_dim3A_141 = vector.broadcast %jit3A_140 : i32 to vector<128x1xi32>
    %select_n3A_142 = arith.select %eq3A_139, %get3A_137, %broadcast_in_dim3A_141 : vector<128x1xi1>, vector<128x1xi32>
    %reduce_min3A_143 = arith.constant dense<2147483647> : vector<1xi32>
    %reduce_min3A_144 = vector.multi_reduction <minsi>, %select_n3A_142, %reduce_min3A_143 [0] : vector<128x1xi32> to vector<1xi32>
    %broadcast_in_dim3A_145 = vector.shape_cast %reduce_min3A_144 : vector<1xi32> to vector<1x1xi32>
    %swap3A_146 = arith.constant 4 : index
    %swap3A_147 = arith.constant 0 : index
    %swap3A_148 = vector.load %arg3[%swap3A_146, %swap3A_147] : memref<16x1xf32, #tpu.memory_space<vmem>>, vector<1x1xf32>
    tpu.vector_store %arg3[%swap3A_146, %swap3A_147], %broadcast_in_dim3A_134 {strides = array<i32>} : memref<16x1xf32, #tpu.memory_space<vmem>>, vector<1x1xf32>,
    %swap3A_149 = arith.constant 4 : index
    %swap3A_150 = arith.constant 0 : index
    %swap3A_151 = vector.load %arg4[%swap3A_149, %swap3A_150] : memref<16x1xi32, #tpu.memory_space<vmem>>, vector<1x1xi32>
    tpu.vector_store %arg4[%swap3A_149, %swap3A_150], %broadcast_in_dim3A_145 {strides = array<i32>} : memref<16x1xi32, #tpu.memory_space<vmem>>, vector<1x1xi32>,
    %slice3A_152 = vector.extract_strided_slice %broadcast_in_dim3A_10 {offsets = [5, 0], sizes = [1, 1], strides = [1, 1]} : vector<16x1xf32> to vector<1x1xf32>
    %squeeze3A_153 = vector.extract %slice3A_152[0, 0] : f32 from vector<1x1xf32>
    %slice3A_154 = vector.extract_strided_slice %dot_general3A_5 {offsets = [640, 5], sizes = [128, 1], strides = [1, 1]} : vector<2048x16xf32> to vector<128x1xf32>
    %mul3A_155 = arith.constant 2.000000e+00 : f32
    %mul3A_156 = vector.broadcast %mul3A_155 : f32 to vector<128x1xf32>
    %mul3A_157 = arith.mulf %mul3A_156, %slice3A_154 : vector<128x1xf32>
    %sub3A_158 = vector.broadcast %squeeze3A_153 : f32 to vector<128x1xf32>
    %sub3A_159 = arith.subf %sub3A_158, %mul3A_157 : vector<128x1xf32>
    %slice3A_160 = vector.extract_strided_slice %broadcast_in_dim3A {offsets = [640, 0], sizes = [128, 1], strides = [1, 1]} : vector<2048x1xf32> to vector<128x1xf32>
    %add3A_161 = arith.addf %sub3A_159, %slice3A_160 : vector<128x1xf32>
    %reduce_min3A_162 = arith.constant dense<0x7F800000> : vector<1xf32>
    %reduce_min3A_163 = vector.multi_reduction <minimumf>, %add3A_161, %reduce_min3A_162 [0] : vector<128x1xf32> to vector<1xf32>
    %broadcast_in_dim3A_164 = vector.shape_cast %reduce_min3A_163 : vector<1xf32> to vector<1x1xf32>
    %get3A_165 = arith.constant 0 : index
    %get3A_166 = arith.constant 5 : index
    %get3A_167 = vector.load %arg2[%get3A_165, %get3A_166] : memref<128x16xi32, #tpu.memory_space<vmem>>, vector<128x1xi32>
    %eq3A_168 = vector.broadcast %broadcast_in_dim3A_164 : vector<1x1xf32> to vector<128x1xf32>
    %eq3A_169 = arith.cmpf oeq, %add3A_161, %eq3A_168 : vector<128x1xf32>
    %jit3A_170 = arith.constant 1073741824 : i32
    %broadcast_in_dim3A_171 = vector.broadcast %jit3A_170 : i32 to vector<128x1xi32>
    %select_n3A_172 = arith.select %eq3A_169, %get3A_167, %broadcast_in_dim3A_171 : vector<128x1xi1>, vector<128x1xi32>
    %reduce_min3A_173 = arith.constant dense<2147483647> : vector<1xi32>
    %reduce_min3A_174 = vector.multi_reduction <minsi>, %select_n3A_172, %reduce_min3A_173 [0] : vector<128x1xi32> to vector<1xi32>
    %broadcast_in_dim3A_175 = vector.shape_cast %reduce_min3A_174 : vector<1xi32> to vector<1x1xi32>
    %swap3A_176 = arith.constant 5 : index
    %swap3A_177 = arith.constant 0 : index
    %swap3A_178 = vector.load %arg3[%swap3A_176, %swap3A_177] : memref<16x1xf32, #tpu.memory_space<vmem>>, vector<1x1xf32>
    tpu.vector_store %arg3[%swap3A_176, %swap3A_177], %broadcast_in_dim3A_164 {strides = array<i32>} : memref<16x1xf32, #tpu.memory_space<vmem>>, vector<1x1xf32>,
    %swap3A_179 = arith.constant 5 : index
    %swap3A_180 = arith.constant 0 : index
    %swap3A_181 = vector.load %arg4[%swap3A_179, %swap3A_180] : memref<16x1xi32, #tpu.memory_space<vmem>>, vector<1x1xi32>
    tpu.vector_store %arg4[%swap3A_179, %swap3A_180], %broadcast_in_dim3A_175 {strides = array<i32>} : memref<16x1xi32, #tpu.memory_space<vmem>>, vector<1x1xi32>,
    %slice3A_182 = vector.extract_strided_slice %broadcast_in_dim3A_10 {offsets = [6, 0], sizes = [1, 1], strides = [1, 1]} : vector<16x1xf32> to vector<1x1xf32>
    %squeeze3A_183 = vector.extract %slice3A_182[0, 0] : f32 from vector<1x1xf32>
    %slice3A_184 = vector.extract_strided_slice %dot_general3A_5 {offsets = [768, 6], sizes = [128, 1], strides = [1, 1]} : vector<2048x16xf32> to vector<128x1xf32>
    %mul3A_185 = arith.constant 2.000000e+00 : f32
    %mul3A_186 = vector.broadcast %mul3A_185 : f32 to vector<128x1xf32>
    %mul3A_187 = arith.mulf %mul3A_186, %slice3A_184 : vector<128x1xf32>
    %sub3A_188 = vector.broadcast %squeeze3A_183 : f32 to vector<128x1xf32>
    %sub3A_189 = arith.subf %sub3A_188, %mul3A_187 : vector<128x1xf32>
    %slice3A_190 = vector.extract_strided_slice %broadcast_in_dim3A {offsets = [768, 0], sizes = [128, 1], strides = [1, 1]} : vector<2048x1xf32> to vector<128x1xf32>
    %add3A_191 = arith.addf %sub3A_189, %slice3A_190 : vector<128x1xf32>
    %reduce_min3A_192 = arith.constant dense<0x7F800000> : vector<1xf32>
    %reduce_min3A_193 = vector.multi_reduction <minimumf>, %add3A_191, %reduce_min3A_192 [0] : vector<128x1xf32> to vector<1xf32>
    %broadcast_in_dim3A_194 = vector.shape_cast %reduce_min3A_193 : vector<1xf32> to vector<1x1xf32>
    %get3A_195 = arith.constant 0 : index
    %get3A_196 = arith.constant 6 : index
    %get3A_197 = vector.load %arg2[%get3A_195, %get3A_196] : memref<128x16xi32, #tpu.memory_space<vmem>>, vector<128x1xi32>
    %eq3A_198 = vector.broadcast %broadcast_in_dim3A_194 : vector<1x1xf32> to vector<128x1xf32>
    %eq3A_199 = arith.cmpf oeq, %add3A_191, %eq3A_198 : vector<128x1xf32>
    %jit3A_200 = arith.constant 1073741824 : i32
    %broadcast_in_dim3A_201 = vector.broadcast %jit3A_200 : i32 to vector<128x1xi32>
    %select_n3A_202 = arith.select %eq3A_199, %get3A_197, %broadcast_in_dim3A_201 : vector<128x1xi1>, vector<128x1xi32>
    %reduce_min3A_203 = arith.constant dense<2147483647> : vector<1xi32>
    %reduce_min3A_204 = vector.multi_reduction <minsi>, %select_n3A_202, %reduce_min3A_203 [0] : vector<128x1xi32> to vector<1xi32>
    %broadcast_in_dim3A_205 = vector.shape_cast %reduce_min3A_204 : vector<1xi32> to vector<1x1xi32>
    %swap3A_206 = arith.constant 6 : index
    %swap3A_207 = arith.constant 0 : index
    %swap3A_208 = vector.load %arg3[%swap3A_206, %swap3A_207] : memref<16x1xf32, #tpu.memory_space<vmem>>, vector<1x1xf32>
    tpu.vector_store %arg3[%swap3A_206, %swap3A_207], %broadcast_in_dim3A_194 {strides = array<i32>} : memref<16x1xf32, #tpu.memory_space<vmem>>, vector<1x1xf32>,
    %swap3A_209 = arith.constant 6 : index
    %swap3A_210 = arith.constant 0 : index
    %swap3A_211 = vector.load %arg4[%swap3A_209, %swap3A_210] : memref<16x1xi32, #tpu.memory_space<vmem>>, vector<1x1xi32>
    tpu.vector_store %arg4[%swap3A_209, %swap3A_210], %broadcast_in_dim3A_205 {strides = array<i32>} : memref<16x1xi32, #tpu.memory_space<vmem>>, vector<1x1xi32>,
    %slice3A_212 = vector.extract_strided_slice %broadcast_in_dim3A_10 {offsets = [7, 0], sizes = [1, 1], strides = [1, 1]} : vector<16x1xf32> to vector<1x1xf32>
    %squeeze3A_213 = vector.extract %slice3A_212[0, 0] : f32 from vector<1x1xf32>
    %slice3A_214 = vector.extract_strided_slice %dot_general3A_5 {offsets = [896, 7], sizes = [128, 1], strides = [1, 1]} : vector<2048x16xf32> to vector<128x1xf32>
    %mul3A_215 = arith.constant 2.000000e+00 : f32
    %mul3A_216 = vector.broadcast %mul3A_215 : f32 to vector<128x1xf32>
    %mul3A_217 = arith.mulf %mul3A_216, %slice3A_214 : vector<128x1xf32>
    %sub3A_218 = vector.broadcast %squeeze3A_213 : f32 to vector<128x1xf32>
    %sub3A_219 = arith.subf %sub3A_218, %mul3A_217 : vector<128x1xf32>
    %slice3A_220 = vector.extract_strided_slice %broadcast_in_dim3A {offsets = [896, 0], sizes = [128, 1], strides = [1, 1]} : vector<2048x1xf32> to vector<128x1xf32>
    %add3A_221 = arith.addf %sub3A_219, %slice3A_220 : vector<128x1xf32>
    %reduce_min3A_222 = arith.constant dense<0x7F800000> : vector<1xf32>
    %reduce_min3A_223 = vector.multi_reduction <minimumf>, %add3A_221, %reduce_min3A_222 [0] : vector<128x1xf32> to vector<1xf32>
    %broadcast_in_dim3A_224 = vector.shape_cast %reduce_min3A_223 : vector<1xf32> to vector<1x1xf32>
    %get3A_225 = arith.constant 0 : index
    %get3A_226 = arith.constant 7 : index
    %get3A_227 = vector.load %arg2[%get3A_225, %get3A_226] : memref<128x16xi32, #tpu.memory_space<vmem>>, vector<128x1xi32>
    %eq3A_228 = vector.broadcast %broadcast_in_dim3A_224 : vector<1x1xf32> to vector<128x1xf32>
    %eq3A_229 = arith.cmpf oeq, %add3A_221, %eq3A_228 : vector<128x1xf32>
    %jit3A_230 = arith.constant 1073741824 : i32
    %broadcast_in_dim3A_231 = vector.broadcast %jit3A_230 : i32 to vector<128x1xi32>
    %select_n3A_232 = arith.select %eq3A_229, %get3A_227, %broadcast_in_dim3A_231 : vector<128x1xi1>, vector<128x1xi32>
    %reduce_min3A_233 = arith.constant dense<2147483647> : vector<1xi32>
    %reduce_min3A_234 = vector.multi_reduction <minsi>, %select_n3A_232, %reduce_min3A_233 [0] : vector<128x1xi32> to vector<1xi32>
    %broadcast_in_dim3A_235 = vector.shape_cast %reduce_min3A_234 : vector<1xi32> to vector<1x1xi32>
    %swap3A_236 = arith.constant 7 : index
    %swap3A_237 = arith.constant 0 : index
    %swap3A_238 = vector.load %arg3[%swap3A_236, %swap3A_237] : memref<16x1xf32, #tpu.memory_space<vmem>>, vector<1x1xf32>
    tpu.vector_store %arg3[%swap3A_236, %swap3A_237], %broadcast_in_dim3A_224 {strides = array<i32>} : memref<16x1xf32, #tpu.memory_space<vmem>>, vector<1x1xf32>,
    %swap3A_239 = arith.constant 7 : index
    %swap3A_240 = arith.constant 0 : index
    %swap3A_241 = vector.load %arg4[%swap3A_239, %swap3A_240] : memref<16x1xi32, #tpu.memory_space<vmem>>, vector<1x1xi32>
    tpu.vector_store %arg4[%swap3A_239, %swap3A_240], %broadcast_in_dim3A_235 {strides = array<i32>} : memref<16x1xi32, #tpu.memory_space<vmem>>, vector<1x1xi32>,
    %slice3A_242 = vector.extract_strided_slice %broadcast_in_dim3A_10 {offsets = [8, 0], sizes = [1, 1], strides = [1, 1]} : vector<16x1xf32> to vector<1x1xf32>
    %squeeze3A_243 = vector.extract %slice3A_242[0, 0] : f32 from vector<1x1xf32>
    %slice3A_244 = vector.extract_strided_slice %dot_general3A_5 {offsets = [1024, 8], sizes = [128, 1], strides = [1, 1]} : vector<2048x16xf32> to vector<128x1xf32>
    %mul3A_245 = arith.constant 2.000000e+00 : f32
    %mul3A_246 = vector.broadcast %mul3A_245 : f32 to vector<128x1xf32>
    %mul3A_247 = arith.mulf %mul3A_246, %slice3A_244 : vector<128x1xf32>
    %sub3A_248 = vector.broadcast %squeeze3A_243 : f32 to vector<128x1xf32>
    %sub3A_249 = arith.subf %sub3A_248, %mul3A_247 : vector<128x1xf32>
    %slice3A_250 = vector.extract_strided_slice %broadcast_in_dim3A {offsets = [1024, 0], sizes = [128, 1], strides = [1, 1]} : vector<2048x1xf32> to vector<128x1xf32>
    %add3A_251 = arith.addf %sub3A_249, %slice3A_250 : vector<128x1xf32>
    %reduce_min3A_252 = arith.constant dense<0x7F800000> : vector<1xf32>
    %reduce_min3A_253 = vector.multi_reduction <minimumf>, %add3A_251, %reduce_min3A_252 [0] : vector<128x1xf32> to vector<1xf32>
    %broadcast_in_dim3A_254 = vector.shape_cast %reduce_min3A_253 : vector<1xf32> to vector<1x1xf32>
    %get3A_255 = arith.constant 0 : index
    %get3A_256 = arith.constant 8 : index
    %get3A_257 = vector.load %arg2[%get3A_255, %get3A_256] : memref<128x16xi32, #tpu.memory_space<vmem>>, vector<128x1xi32>
    %eq3A_258 = vector.broadcast %broadcast_in_dim3A_254 : vector<1x1xf32> to vector<128x1xf32>
    %eq3A_259 = arith.cmpf oeq, %add3A_251, %eq3A_258 : vector<128x1xf32>
    %jit3A_260 = arith.constant 1073741824 : i32
    %broadcast_in_dim3A_261 = vector.broadcast %jit3A_260 : i32 to vector<128x1xi32>
    %select_n3A_262 = arith.select %eq3A_259, %get3A_257, %broadcast_in_dim3A_261 : vector<128x1xi1>, vector<128x1xi32>
    %reduce_min3A_263 = arith.constant dense<2147483647> : vector<1xi32>
    %reduce_min3A_264 = vector.multi_reduction <minsi>, %select_n3A_262, %reduce_min3A_263 [0] : vector<128x1xi32> to vector<1xi32>
    %broadcast_in_dim3A_265 = vector.shape_cast %reduce_min3A_264 : vector<1xi32> to vector<1x1xi32>
    %swap3A_266 = arith.constant 8 : index
    %swap3A_267 = arith.constant 0 : index
    %swap3A_268 = vector.load %arg3[%swap3A_266, %swap3A_267] : memref<16x1xf32, #tpu.memory_space<vmem>>, vector<1x1xf32>
    tpu.vector_store %arg3[%swap3A_266, %swap3A_267], %broadcast_in_dim3A_254 {strides = array<i32>} : memref<16x1xf32, #tpu.memory_space<vmem>>, vector<1x1xf32>,
    %swap3A_269 = arith.constant 8 : index
    %swap3A_270 = arith.constant 0 : index
    %swap3A_271 = vector.load %arg4[%swap3A_269, %swap3A_270] : memref<16x1xi32, #tpu.memory_space<vmem>>, vector<1x1xi32>
    tpu.vector_store %arg4[%swap3A_269, %swap3A_270], %broadcast_in_dim3A_265 {strides = array<i32>} : memref<16x1xi32, #tpu.memory_space<vmem>>, vector<1x1xi32>,
    %slice3A_272 = vector.extract_strided_slice %broadcast_in_dim3A_10 {offsets = [9, 0], sizes = [1, 1], strides = [1, 1]} : vector<16x1xf32> to vector<1x1xf32>
    %squeeze3A_273 = vector.extract %slice3A_272[0, 0] : f32 from vector<1x1xf32>
    %slice3A_274 = vector.extract_strided_slice %dot_general3A_5 {offsets = [1152, 9], sizes = [128, 1], strides = [1, 1]} : vector<2048x16xf32> to vector<128x1xf32>
    %mul3A_275 = arith.constant 2.000000e+00 : f32
    %mul3A_276 = vector.broadcast %mul3A_275 : f32 to vector<128x1xf32>
    %mul3A_277 = arith.mulf %mul3A_276, %slice3A_274 : vector<128x1xf32>
    %sub3A_278 = vector.broadcast %squeeze3A_273 : f32 to vector<128x1xf32>
    %sub3A_279 = arith.subf %sub3A_278, %mul3A_277 : vector<128x1xf32>
    %slice3A_280 = vector.extract_strided_slice %broadcast_in_dim3A {offsets = [1152, 0], sizes = [128, 1], strides = [1, 1]} : vector<2048x1xf32> to vector<128x1xf32>
    %add3A_281 = arith.addf %sub3A_279, %slice3A_280 : vector<128x1xf32>
    %reduce_min3A_282 = arith.constant dense<0x7F800000> : vector<1xf32>
    %reduce_min3A_283 = vector.multi_reduction <minimumf>, %add3A_281, %reduce_min3A_282 [0] : vector<128x1xf32> to vector<1xf32>
    %broadcast_in_dim3A_284 = vector.shape_cast %reduce_min3A_283 : vector<1xf32> to vector<1x1xf32>
    %get3A_285 = arith.constant 0 : index
    %get3A_286 = arith.constant 9 : index
    %get3A_287 = vector.load %arg2[%get3A_285, %get3A_286] : memref<128x16xi32, #tpu.memory_space<vmem>>, vector<128x1xi32>
    %eq3A_288 = vector.broadcast %broadcast_in_dim3A_284 : vector<1x1xf32> to vector<128x1xf32>
    %eq3A_289 = arith.cmpf oeq, %add3A_281, %eq3A_288 : vector<128x1xf32>
    %jit3A_290 = arith.constant 1073741824 : i32
    %broadcast_in_dim3A_291 = vector.broadcast %jit3A_290 : i32 to vector<128x1xi32>
    %select_n3A_292 = arith.select %eq3A_289, %get3A_287, %broadcast_in_dim3A_291 : vector<128x1xi1>, vector<128x1xi32>
    %reduce_min3A_293 = arith.constant dense<2147483647> : vector<1xi32>
    %reduce_min3A_294 = vector.multi_reduction <minsi>, %select_n3A_292, %reduce_min3A_293 [0] : vector<128x1xi32> to vector<1xi32>
    %broadcast_in_dim3A_295 = vector.shape_cast %reduce_min3A_294 : vector<1xi32> to vector<1x1xi32>
    %swap3A_296 = arith.constant 9 : index
    %swap3A_297 = arith.constant 0 : index
    %swap3A_298 = vector.load %arg3[%swap3A_296, %swap3A_297] : memref<16x1xf32, #tpu.memory_space<vmem>>, vector<1x1xf32>
    tpu.vector_store %arg3[%swap3A_296, %swap3A_297], %broadcast_in_dim3A_284 {strides = array<i32>} : memref<16x1xf32, #tpu.memory_space<vmem>>, vector<1x1xf32>,
    %swap3A_299 = arith.constant 9 : index
    %swap3A_300 = arith.constant 0 : index
    %swap3A_301 = vector.load %arg4[%swap3A_299, %swap3A_300] : memref<16x1xi32, #tpu.memory_space<vmem>>, vector<1x1xi32>
    tpu.vector_store %arg4[%swap3A_299, %swap3A_300], %broadcast_in_dim3A_295 {strides = array<i32>} : memref<16x1xi32, #tpu.memory_space<vmem>>, vector<1x1xi32>,
    %slice3A_302 = vector.extract_strided_slice %broadcast_in_dim3A_10 {offsets = [10, 0], sizes = [1, 1], strides = [1, 1]} : vector<16x1xf32> to vector<1x1xf32>
    %squeeze3A_303 = vector.extract %slice3A_302[0, 0] : f32 from vector<1x1xf32>
    %slice3A_304 = vector.extract_strided_slice %dot_general3A_5 {offsets = [1280, 10], sizes = [128, 1], strides = [1, 1]} : vector<2048x16xf32> to vector<128x1xf32>
    %mul3A_305 = arith.constant 2.000000e+00 : f32
    %mul3A_306 = vector.broadcast %mul3A_305 : f32 to vector<128x1xf32>
    %mul3A_307 = arith.mulf %mul3A_306, %slice3A_304 : vector<128x1xf32>
    %sub3A_308 = vector.broadcast %squeeze3A_303 : f32 to vector<128x1xf32>
    %sub3A_309 = arith.subf %sub3A_308, %mul3A_307 : vector<128x1xf32>
    %slice3A_310 = vector.extract_strided_slice %broadcast_in_dim3A {offsets = [1280, 0], sizes = [128, 1], strides = [1, 1]} : vector<2048x1xf32> to vector<128x1xf32>
    %add3A_311 = arith.addf %sub3A_309, %slice3A_310 : vector<128x1xf32>
    %reduce_min3A_312 = arith.constant dense<0x7F800000> : vector<1xf32>
    %reduce_min3A_313 = vector.multi_reduction <minimumf>, %add3A_311, %reduce_min3A_312 [0] : vector<128x1xf32> to vector<1xf32>
    %broadcast_in_dim3A_314 = vector.shape_cast %reduce_min3A_313 : vector<1xf32> to vector<1x1xf32>
    %get3A_315 = arith.constant 0 : index
    %get3A_316 = arith.constant 10 : index
    %get3A_317 = vector.load %arg2[%get3A_315, %get3A_316] : memref<128x16xi32, #tpu.memory_space<vmem>>, vector<128x1xi32>
    %eq3A_318 = vector.broadcast %broadcast_in_dim3A_314 : vector<1x1xf32> to vector<128x1xf32>
    %eq3A_319 = arith.cmpf oeq, %add3A_311, %eq3A_318 : vector<128x1xf32>
    %jit3A_320 = arith.constant 1073741824 : i32
    %broadcast_in_dim3A_321 = vector.broadcast %jit3A_320 : i32 to vector<128x1xi32>
    %select_n3A_322 = arith.select %eq3A_319, %get3A_317, %broadcast_in_dim3A_321 : vector<128x1xi1>, vector<128x1xi32>
    %reduce_min3A_323 = arith.constant dense<2147483647> : vector<1xi32>
    %reduce_min3A_324 = vector.multi_reduction <minsi>, %select_n3A_322, %reduce_min3A_323 [0] : vector<128x1xi32> to vector<1xi32>
    %broadcast_in_dim3A_325 = vector.shape_cast %reduce_min3A_324 : vector<1xi32> to vector<1x1xi32>
    %swap3A_326 = arith.constant 10 : index
    %swap3A_327 = arith.constant 0 : index
    %swap3A_328 = vector.load %arg3[%swap3A_326, %swap3A_327] : memref<16x1xf32, #tpu.memory_space<vmem>>, vector<1x1xf32>
    tpu.vector_store %arg3[%swap3A_326, %swap3A_327], %broadcast_in_dim3A_314 {strides = array<i32>} : memref<16x1xf32, #tpu.memory_space<vmem>>, vector<1x1xf32>,
    %swap3A_329 = arith.constant 10 : index
    %swap3A_330 = arith.constant 0 : index
    %swap3A_331 = vector.load %arg4[%swap3A_329, %swap3A_330] : memref<16x1xi32, #tpu.memory_space<vmem>>, vector<1x1xi32>
    tpu.vector_store %arg4[%swap3A_329, %swap3A_330], %broadcast_in_dim3A_325 {strides = array<i32>} : memref<16x1xi32, #tpu.memory_space<vmem>>, vector<1x1xi32>,
    %slice3A_332 = vector.extract_strided_slice %broadcast_in_dim3A_10 {offsets = [11, 0], sizes = [1, 1], strides = [1, 1]} : vector<16x1xf32> to vector<1x1xf32>
    %squeeze3A_333 = vector.extract %slice3A_332[0, 0] : f32 from vector<1x1xf32>
    %slice3A_334 = vector.extract_strided_slice %dot_general3A_5 {offsets = [1408, 11], sizes = [128, 1], strides = [1, 1]} : vector<2048x16xf32> to vector<128x1xf32>
    %mul3A_335 = arith.constant 2.000000e+00 : f32
    %mul3A_336 = vector.broadcast %mul3A_335 : f32 to vector<128x1xf32>
    %mul3A_337 = arith.mulf %mul3A_336, %slice3A_334 : vector<128x1xf32>
    %sub3A_338 = vector.broadcast %squeeze3A_333 : f32 to vector<128x1xf32>
    %sub3A_339 = arith.subf %sub3A_338, %mul3A_337 : vector<128x1xf32>
    %slice3A_340 = vector.extract_strided_slice %broadcast_in_dim3A {offsets = [1408, 0], sizes = [128, 1], strides = [1, 1]} : vector<2048x1xf32> to vector<128x1xf32>
    %add3A_341 = arith.addf %sub3A_339, %slice3A_340 : vector<128x1xf32>
    %reduce_min3A_342 = arith.constant dense<0x7F800000> : vector<1xf32>
    %reduce_min3A_343 = vector.multi_reduction <minimumf>, %add3A_341, %reduce_min3A_342 [0] : vector<128x1xf32> to vector<1xf32>
    %broadcast_in_dim3A_344 = vector.shape_cast %reduce_min3A_343 : vector<1xf32> to vector<1x1xf32>
    %get3A_345 = arith.constant 0 : index
    %get3A_346 = arith.constant 11 : index
    %get3A_347 = vector.load %arg2[%get3A_345, %get3A_346] : memref<128x16xi32, #tpu.memory_space<vmem>>, vector<128x1xi32>
    %eq3A_348 = vector.broadcast %broadcast_in_dim3A_344 : vector<1x1xf32> to vector<128x1xf32>
    %eq3A_349 = arith.cmpf oeq, %add3A_341, %eq3A_348 : vector<128x1xf32>
    %jit3A_350 = arith.constant 1073741824 : i32
    %broadcast_in_dim3A_351 = vector.broadcast %jit3A_350 : i32 to vector<128x1xi32>
    %select_n3A_352 = arith.select %eq3A_349, %get3A_347, %broadcast_in_dim3A_351 : vector<128x1xi1>, vector<128x1xi32>
    %reduce_min3A_353 = arith.constant dense<2147483647> : vector<1xi32>
    %reduce_min3A_354 = vector.multi_reduction <minsi>, %select_n3A_352, %reduce_min3A_353 [0] : vector<128x1xi32> to vector<1xi32>
    %broadcast_in_dim3A_355 = vector.shape_cast %reduce_min3A_354 : vector<1xi32> to vector<1x1xi32>
    %swap3A_356 = arith.constant 11 : index
    %swap3A_357 = arith.constant 0 : index
    %swap3A_358 = vector.load %arg3[%swap3A_356, %swap3A_357] : memref<16x1xf32, #tpu.memory_space<vmem>>, vector<1x1xf32>
    tpu.vector_store %arg3[%swap3A_356, %swap3A_357], %broadcast_in_dim3A_344 {strides = array<i32>} : memref<16x1xf32, #tpu.memory_space<vmem>>, vector<1x1xf32>,
    %swap3A_359 = arith.constant 11 : index
    %swap3A_360 = arith.constant 0 : index
    %swap3A_361 = vector.load %arg4[%swap3A_359, %swap3A_360] : memref<16x1xi32, #tpu.memory_space<vmem>>, vector<1x1xi32>
    tpu.vector_store %arg4[%swap3A_359, %swap3A_360], %broadcast_in_dim3A_355 {strides = array<i32>} : memref<16x1xi32, #tpu.memory_space<vmem>>, vector<1x1xi32>,
    %slice3A_362 = vector.extract_strided_slice %broadcast_in_dim3A_10 {offsets = [12, 0], sizes = [1, 1], strides = [1, 1]} : vector<16x1xf32> to vector<1x1xf32>
    %squeeze3A_363 = vector.extract %slice3A_362[0, 0] : f32 from vector<1x1xf32>
    %slice3A_364 = vector.extract_strided_slice %dot_general3A_5 {offsets = [1536, 12], sizes = [128, 1], strides = [1, 1]} : vector<2048x16xf32> to vector<128x1xf32>
    %mul3A_365 = arith.constant 2.000000e+00 : f32
    %mul3A_366 = vector.broadcast %mul3A_365 : f32 to vector<128x1xf32>
    %mul3A_367 = arith.mulf %mul3A_366, %slice3A_364 : vector<128x1xf32>
    %sub3A_368 = vector.broadcast %squeeze3A_363 : f32 to vector<128x1xf32>
    %sub3A_369 = arith.subf %sub3A_368, %mul3A_367 : vector<128x1xf32>
    %slice3A_370 = vector.extract_strided_slice %broadcast_in_dim3A {offsets = [1536, 0], sizes = [128, 1], strides = [1, 1]} : vector<2048x1xf32> to vector<128x1xf32>
    %add3A_371 = arith.addf %sub3A_369, %slice3A_370 : vector<128x1xf32>
    %reduce_min3A_372 = arith.constant dense<0x7F800000> : vector<1xf32>
    %reduce_min3A_373 = vector.multi_reduction <minimumf>, %add3A_371, %reduce_min3A_372 [0] : vector<128x1xf32> to vector<1xf32>
    %broadcast_in_dim3A_374 = vector.shape_cast %reduce_min3A_373 : vector<1xf32> to vector<1x1xf32>
    %get3A_375 = arith.constant 0 : index
    %get3A_376 = arith.constant 12 : index
    %get3A_377 = vector.load %arg2[%get3A_375, %get3A_376] : memref<128x16xi32, #tpu.memory_space<vmem>>, vector<128x1xi32>
    %eq3A_378 = vector.broadcast %broadcast_in_dim3A_374 : vector<1x1xf32> to vector<128x1xf32>
    %eq3A_379 = arith.cmpf oeq, %add3A_371, %eq3A_378 : vector<128x1xf32>
    %jit3A_380 = arith.constant 1073741824 : i32
    %broadcast_in_dim3A_381 = vector.broadcast %jit3A_380 : i32 to vector<128x1xi32>
    %select_n3A_382 = arith.select %eq3A_379, %get3A_377, %broadcast_in_dim3A_381 : vector<128x1xi1>, vector<128x1xi32>
    %reduce_min3A_383 = arith.constant dense<2147483647> : vector<1xi32>
    %reduce_min3A_384 = vector.multi_reduction <minsi>, %select_n3A_382, %reduce_min3A_383 [0] : vector<128x1xi32> to vector<1xi32>
    %broadcast_in_dim3A_385 = vector.shape_cast %reduce_min3A_384 : vector<1xi32> to vector<1x1xi32>
    %swap3A_386 = arith.constant 12 : index
    %swap3A_387 = arith.constant 0 : index
    %swap3A_388 = vector.load %arg3[%swap3A_386, %swap3A_387] : memref<16x1xf32, #tpu.memory_space<vmem>>, vector<1x1xf32>
    tpu.vector_store %arg3[%swap3A_386, %swap3A_387], %broadcast_in_dim3A_374 {strides = array<i32>} : memref<16x1xf32, #tpu.memory_space<vmem>>, vector<1x1xf32>,
    %swap3A_389 = arith.constant 12 : index
    %swap3A_390 = arith.constant 0 : index
    %swap3A_391 = vector.load %arg4[%swap3A_389, %swap3A_390] : memref<16x1xi32, #tpu.memory_space<vmem>>, vector<1x1xi32>
    tpu.vector_store %arg4[%swap3A_389, %swap3A_390], %broadcast_in_dim3A_385 {strides = array<i32>} : memref<16x1xi32, #tpu.memory_space<vmem>>, vector<1x1xi32>,
    %slice3A_392 = vector.extract_strided_slice %broadcast_in_dim3A_10 {offsets = [13, 0], sizes = [1, 1], strides = [1, 1]} : vector<16x1xf32> to vector<1x1xf32>
    %squeeze3A_393 = vector.extract %slice3A_392[0, 0] : f32 from vector<1x1xf32>
    %slice3A_394 = vector.extract_strided_slice %dot_general3A_5 {offsets = [1664, 13], sizes = [128, 1], strides = [1, 1]} : vector<2048x16xf32> to vector<128x1xf32>
    %mul3A_395 = arith.constant 2.000000e+00 : f32
    %mul3A_396 = vector.broadcast %mul3A_395 : f32 to vector<128x1xf32>
    %mul3A_397 = arith.mulf %mul3A_396, %slice3A_394 : vector<128x1xf32>
    %sub3A_398 = vector.broadcast %squeeze3A_393 : f32 to vector<128x1xf32>
    %sub3A_399 = arith.subf %sub3A_398, %mul3A_397 : vector<128x1xf32>
    %slice3A_400 = vector.extract_strided_slice %broadcast_in_dim3A {offsets = [1664, 0], sizes = [128, 1], strides = [1, 1]} : vector<2048x1xf32> to vector<128x1xf32>
    %add3A_401 = arith.addf %sub3A_399, %slice3A_400 : vector<128x1xf32>
    %reduce_min3A_402 = arith.constant dense<0x7F800000> : vector<1xf32>
    %reduce_min3A_403 = vector.multi_reduction <minimumf>, %add3A_401, %reduce_min3A_402 [0] : vector<128x1xf32> to vector<1xf32>
    %broadcast_in_dim3A_404 = vector.shape_cast %reduce_min3A_403 : vector<1xf32> to vector<1x1xf32>
    %get3A_405 = arith.constant 0 : index
    %get3A_406 = arith.constant 13 : index
    %get3A_407 = vector.load %arg2[%get3A_405, %get3A_406] : memref<128x16xi32, #tpu.memory_space<vmem>>, vector<128x1xi32>
    %eq3A_408 = vector.broadcast %broadcast_in_dim3A_404 : vector<1x1xf32> to vector<128x1xf32>
    %eq3A_409 = arith.cmpf oeq, %add3A_401, %eq3A_408 : vector<128x1xf32>
    %jit3A_410 = arith.constant 1073741824 : i32
    %broadcast_in_dim3A_411 = vector.broadcast %jit3A_410 : i32 to vector<128x1xi32>
    %select_n3A_412 = arith.select %eq3A_409, %get3A_407, %broadcast_in_dim3A_411 : vector<128x1xi1>, vector<128x1xi32>
    %reduce_min3A_413 = arith.constant dense<2147483647> : vector<1xi32>
    %reduce_min3A_414 = vector.multi_reduction <minsi>, %select_n3A_412, %reduce_min3A_413 [0] : vector<128x1xi32> to vector<1xi32>
    %broadcast_in_dim3A_415 = vector.shape_cast %reduce_min3A_414 : vector<1xi32> to vector<1x1xi32>
    %swap3A_416 = arith.constant 13 : index
    %swap3A_417 = arith.constant 0 : index
    %swap3A_418 = vector.load %arg3[%swap3A_416, %swap3A_417] : memref<16x1xf32, #tpu.memory_space<vmem>>, vector<1x1xf32>
    tpu.vector_store %arg3[%swap3A_416, %swap3A_417], %broadcast_in_dim3A_404 {strides = array<i32>} : memref<16x1xf32, #tpu.memory_space<vmem>>, vector<1x1xf32>,
    %swap3A_419 = arith.constant 13 : index
    %swap3A_420 = arith.constant 0 : index
    %swap3A_421 = vector.load %arg4[%swap3A_419, %swap3A_420] : memref<16x1xi32, #tpu.memory_space<vmem>>, vector<1x1xi32>
    tpu.vector_store %arg4[%swap3A_419, %swap3A_420], %broadcast_in_dim3A_415 {strides = array<i32>} : memref<16x1xi32, #tpu.memory_space<vmem>>, vector<1x1xi32>,
    %slice3A_422 = vector.extract_strided_slice %broadcast_in_dim3A_10 {offsets = [14, 0], sizes = [1, 1], strides = [1, 1]} : vector<16x1xf32> to vector<1x1xf32>
    %squeeze3A_423 = vector.extract %slice3A_422[0, 0] : f32 from vector<1x1xf32>
    %slice3A_424 = vector.extract_strided_slice %dot_general3A_5 {offsets = [1792, 14], sizes = [128, 1], strides = [1, 1]} : vector<2048x16xf32> to vector<128x1xf32>
    %mul3A_425 = arith.constant 2.000000e+00 : f32
    %mul3A_426 = vector.broadcast %mul3A_425 : f32 to vector<128x1xf32>
    %mul3A_427 = arith.mulf %mul3A_426, %slice3A_424 : vector<128x1xf32>
    %sub3A_428 = vector.broadcast %squeeze3A_423 : f32 to vector<128x1xf32>
    %sub3A_429 = arith.subf %sub3A_428, %mul3A_427 : vector<128x1xf32>
    %slice3A_430 = vector.extract_strided_slice %broadcast_in_dim3A {offsets = [1792, 0], sizes = [128, 1], strides = [1, 1]} : vector<2048x1xf32> to vector<128x1xf32>
    %add3A_431 = arith.addf %sub3A_429, %slice3A_430 : vector<128x1xf32>
    %reduce_min3A_432 = arith.constant dense<0x7F800000> : vector<1xf32>
    %reduce_min3A_433 = vector.multi_reduction <minimumf>, %add3A_431, %reduce_min3A_432 [0] : vector<128x1xf32> to vector<1xf32>
    %broadcast_in_dim3A_434 = vector.shape_cast %reduce_min3A_433 : vector<1xf32> to vector<1x1xf32>
    %get3A_435 = arith.constant 0 : index
    %get3A_436 = arith.constant 14 : index
    %get3A_437 = vector.load %arg2[%get3A_435, %get3A_436] : memref<128x16xi32, #tpu.memory_space<vmem>>, vector<128x1xi32>
    %eq3A_438 = vector.broadcast %broadcast_in_dim3A_434 : vector<1x1xf32> to vector<128x1xf32>
    %eq3A_439 = arith.cmpf oeq, %add3A_431, %eq3A_438 : vector<128x1xf32>
    %jit3A_440 = arith.constant 1073741824 : i32
    %broadcast_in_dim3A_441 = vector.broadcast %jit3A_440 : i32 to vector<128x1xi32>
    %select_n3A_442 = arith.select %eq3A_439, %get3A_437, %broadcast_in_dim3A_441 : vector<128x1xi1>, vector<128x1xi32>
    %reduce_min3A_443 = arith.constant dense<2147483647> : vector<1xi32>
    %reduce_min3A_444 = vector.multi_reduction <minsi>, %select_n3A_442, %reduce_min3A_443 [0] : vector<128x1xi32> to vector<1xi32>
    %broadcast_in_dim3A_445 = vector.shape_cast %reduce_min3A_444 : vector<1xi32> to vector<1x1xi32>
    %swap3A_446 = arith.constant 14 : index
    %swap3A_447 = arith.constant 0 : index
    %swap3A_448 = vector.load %arg3[%swap3A_446, %swap3A_447] : memref<16x1xf32, #tpu.memory_space<vmem>>, vector<1x1xf32>
    tpu.vector_store %arg3[%swap3A_446, %swap3A_447], %broadcast_in_dim3A_434 {strides = array<i32>} : memref<16x1xf32, #tpu.memory_space<vmem>>, vector<1x1xf32>,
    %swap3A_449 = arith.constant 14 : index
    %swap3A_450 = arith.constant 0 : index
    %swap3A_451 = vector.load %arg4[%swap3A_449, %swap3A_450] : memref<16x1xi32, #tpu.memory_space<vmem>>, vector<1x1xi32>
    tpu.vector_store %arg4[%swap3A_449, %swap3A_450], %broadcast_in_dim3A_445 {strides = array<i32>} : memref<16x1xi32, #tpu.memory_space<vmem>>, vector<1x1xi32>,
    %slice3A_452 = vector.extract_strided_slice %broadcast_in_dim3A_10 {offsets = [15, 0], sizes = [1, 1], strides = [1, 1]} : vector<16x1xf32> to vector<1x1xf32>
    %squeeze3A_453 = vector.extract %slice3A_452[0, 0] : f32 from vector<1x1xf32>
    %slice3A_454 = vector.extract_strided_slice %dot_general3A_5 {offsets = [1920, 15], sizes = [128, 1], strides = [1, 1]} : vector<2048x16xf32> to vector<128x1xf32>
    %mul3A_455 = arith.constant 2.000000e+00 : f32
    %mul3A_456 = vector.broadcast %mul3A_455 : f32 to vector<128x1xf32>
    %mul3A_457 = arith.mulf %mul3A_456, %slice3A_454 : vector<128x1xf32>
    %sub3A_458 = vector.broadcast %squeeze3A_453 : f32 to vector<128x1xf32>
    %sub3A_459 = arith.subf %sub3A_458, %mul3A_457 : vector<128x1xf32>
    %slice3A_460 = vector.extract_strided_slice %broadcast_in_dim3A {offsets = [1920, 0], sizes = [128, 1], strides = [1, 1]} : vector<2048x1xf32> to vector<128x1xf32>
    %add3A_461 = arith.addf %sub3A_459, %slice3A_460 : vector<128x1xf32>
    %reduce_min3A_462 = arith.constant dense<0x7F800000> : vector<1xf32>
    %reduce_min3A_463 = vector.multi_reduction <minimumf>, %add3A_461, %reduce_min3A_462 [0] : vector<128x1xf32> to vector<1xf32>
    %broadcast_in_dim3A_464 = vector.shape_cast %reduce_min3A_463 : vector<1xf32> to vector<1x1xf32>
    %get3A_465 = arith.constant 0 : index
    %get3A_466 = arith.constant 15 : index
    %get3A_467 = vector.load %arg2[%get3A_465, %get3A_466] : memref<128x16xi32, #tpu.memory_space<vmem>>, vector<128x1xi32>
    %eq3A_468 = vector.broadcast %broadcast_in_dim3A_464 : vector<1x1xf32> to vector<128x1xf32>
    %eq3A_469 = arith.cmpf oeq, %add3A_461, %eq3A_468 : vector<128x1xf32>
    %jit3A_470 = arith.constant 1073741824 : i32
    %broadcast_in_dim3A_471 = vector.broadcast %jit3A_470 : i32 to vector<128x1xi32>
    %select_n3A_472 = arith.select %eq3A_469, %get3A_467, %broadcast_in_dim3A_471 : vector<128x1xi1>, vector<128x1xi32>
    %reduce_min3A_473 = arith.constant dense<2147483647> : vector<1xi32>
    %reduce_min3A_474 = vector.multi_reduction <minsi>, %select_n3A_472, %reduce_min3A_473 [0] : vector<128x1xi32> to vector<1xi32>
    %broadcast_in_dim3A_475 = vector.shape_cast %reduce_min3A_474 : vector<1xi32> to vector<1x1xi32>
    %swap3A_476 = arith.constant 15 : index
    %swap3A_477 = arith.constant 0 : index
    %swap3A_478 = vector.load %arg3[%swap3A_476, %swap3A_477] : memref<16x1xf32, #tpu.memory_space<vmem>>, vector<1x1xf32>
    tpu.vector_store %arg3[%swap3A_476, %swap3A_477], %broadcast_in_dim3A_464 {strides = array<i32>} : memref<16x1xf32, #tpu.memory_space<vmem>>, vector<1x1xf32>,
    %swap3A_479 = arith.constant 15 : index
    %swap3A_480 = arith.constant 0 : index
    %swap3A_481 = vector.load %arg4[%swap3A_479, %swap3A_480] : memref<16x1xi32, #tpu.memory_space<vmem>>, vector<1x1xi32>
    tpu.vector_store %arg4[%swap3A_479, %swap3A_480], %broadcast_in_dim3A_475 {strides = array<i32>} : memref<16x1xi32, #tpu.memory_space<vmem>>, vector<1x1xi32>,
    return
  }
}

</mosaic_0001>

<sc_bundles>
// kernel: kernel.5.cloned.1.call-start
scs
__scs_entry_jumppad:
0x0: {  	(pc) =	sbr.rel $0x88, $3  }
0x1: {  	(tag) =	ssettag $0x0;
	lr =	simm.s32 $0x1  }
0x2: {  	[smem:$0x3F9F] =	sst lr;
	_ =	strace $0xD0000000  }
0x3: {  	_ = 	snop  }
0x4: {  	_ = 	snop  }
0x5: {  	_ = 	snop  }
0x6: {  	_ = 	snop  }
0x7: {  	_ = 	snop  }
__scs_overlays_trampoline_lowered:
0x8: {  	[smem:$0x3FAE] =	sst s0  }
0x9: {  	[smem:$0x3FAF] =	sst s1  }
0xa: {  	[smem:$0x3FB0] =	sst s2  }
0xb: {  	[smem:$0x3FB1] =	sst s3  }
0xc: {  	[smem:$0x3FB2] =	sst s4  }
0xd: {  	[smem:$0x3FB3] =	sst s5  }
0xe: {  	[smem:$0x3FB4] =	sst s6  }
0xf: {  	[smem:$0x3FB5] =	sst s7  }
0x10: {  	[smem:$0x3FB6] =	sst s8  }
0x11: {  	[smem:$0x3FB7] =	sst s9;
	s0 =	simm.s32 @!p0 $0x0  }
0x12: {  	s1 =	sld [smem:$0x3F9D];
	s0 =	simm.s32 @p0 $0x1  }
0x13: {  	[smem:$0x3FB8] =	sst s0;
	s0 =	simm.s32 @!p1 $0x0  }
0x14: {  	s2 =	sld [smem:$0x3F9C];
	s0 =	simm.s32 @p1 $0x1  }
0x15: {  	[smem:$0x3FB9] =	sst s0;
	s0 =	simm.s32 @!p2 $0x0  }
0x16: {  	s3 =	sld [smem:$0x3FDB];
	s0 =	simm.s32 @p2 $0x1  }
0x17: {  	s4 =	simm.s32 $0x1BF5;
	[smem:$0x3FBB] =	sst s0  }
0x18: {  	s0 =	sld [smem:$0x3F9E];
	_ =	swait.ge [sflag:s4], $0x0  }
0x19: {  	s7 =	sld [smem:$0x3F9F]  }
0x1a: {  	s8 =	sadd.s32 $0xFFFFE003, lr  }
0x1b: {  	s9 =	sadd.s32 $0xFFFFFEF7, lr;
	s5 =	simm.s32 $0xFFFFFFFF;
	p2 =	slt.u32 s8, $0xFFFFF086  }
0x1c: {  	p1 =	slt.u32 s9, $0xF7A;
	s5 =	simm.s32 @!p2 $0x0  }
0x1d: {  	s5 =	simm.s32 @p1 $0x1;
	p0 =	seq.s32 s7, s2  }
0x1e: {  	s7 =	smul.u32 @!p0 $0xF7A, s2;
	p2 =	seq.s32 @!p0 s5, $0x0  }
0x1f: {  	s9 =	smul.u32 $0xF7A, s1;
	s8 =	simm.s32 @!p0 $0x1BF5;
	p2 =	por !p2, p0  }
0x20: {  	[sflag:s8] =	ssyncset.s32 @!p0 $0xFFFFF086;
	s6 =	sadd.s32 @!p0 s3, s7;
	s7 =	simm.s32 @!p0 $0x108  }
0x21: {  	s3 =	sadd.s32 s3, s9;
	s6 =	sadd.s32 @!p0 $0x88, s6;
	s7 =	simm.s32 @p2 $0x1082  }
0x22: {  	[simem:s7], [sflag:s8] =	dma.local @!p0 [hbm:s6], $0xF7A  }
0x23: {  	s9 =	sor.u32 $0xD0000000, s2;
	s6 =	simm.s32 $0x108;
	_ =	swait.ge @!p0 [sflag:s8], $0x0  }
0x24: {  	s3 =	sadd.s32 $0x88, s3;
	s6 =	simm.s32 @!p1 $0x1082;
	[sflag:s4] =	ssyncset.s32 $0xFFFFF086  }
0x25: {  	[simem:s6], [sflag:s4] =	dma.local [hbm:s3], $0xF7A  }
0x26: {  	[smem:$0x3F9F] =	sst s1;
	(tag) =	ssettag s2;
	_ =	strace s9  }
0x27: {  	s1 =	sld [smem:$0x3FAF]  }
0x28: {  	s2 =	sld [smem:$0x3FB0]  }
0x29: {  	s4 =	sld [smem:$0x3FB2]  }
0x2a: {  	p0 =	seq.s32 s5, $0x0;
	s5 =	sld [smem:$0x3FB3]  }
0x2b: {  	s6 =	sld [smem:$0x3FB4]  }
0x2c: {  	s7 =	sld [smem:$0x3FB5]  }
0x2d: {  	s3 =	simm.s32 $0x108;
	s8 =	sld [smem:$0x3FB6]  }
0x2e: {  	s3 =	simm.s32 @!p0 $0x1082;
	s9 =	sld [smem:$0x3FB7]  }
0x2f: {  	lr =	sadd.s32 s0, s3;
	s0 =	sld [smem:$0x3FAE]  }
0x30: {  	s3 =	sld [smem:$0x3FB1]  }
0x31: {  	[smem:$0x3FBA] =	sst s10  }
0x32: {  	s10 =	sld [smem:$0x3FB8];
	_ =	sdelay $0x3  }
0x33: {  	p0 =	seq.s32 s10, $0x1;
	s10 =	sld [smem:$0x3FBA];
	_ =	sdelay $0x3  }
0x34: {  	[smem:$0x3FBA] =	sst s10  }
0x35: {  	s10 =	sld [smem:$0x3FB9];
	_ =	sdelay $0x3  }
0x36: {  	p1 =	seq.s32 s10, $0x1;
	s10 =	sld [smem:$0x3FBA];
	_ =	sdelay $0x3  }
0x37: {  	[smem:$0x3FBA] =	sst s10  }
0x38: {  	s10 =	sld [smem:$0x3FBB]  }
0x39: {  	_ = 	snop;
	(pc) =	sbr.ind lr, $3  }
0x3a: {  	_ = 	snop  }
0x3b: {  	_ = 	snop  }
0x3c: {  	p2 =	seq.s32 s10, $0x1;
	s10 =	sld [smem:$0x3FBA]  }
0x3d: {  	_ =	shalt  }
0x3e: {  	_ =	shalt  }
0x3f: {  	_ =	shalt  }
0x40: {  	_ =	shalt  }
0x41: {  	_ =	shalt  }
0x42: {  	_ =	shalt  }
0x43: {  	_ =	shalt  }
0x44: {  	_ =	shalt  }
0x45: {  	_ =	shalt  }
0x46: {  	_ =	shalt  }
0x47: {  	_ =	shalt  }
0x48: {  	_ =	shalt  }
0x49: {  	_ =	shalt  }
0x4a: {  	_ =	shalt  }
0x4b: {  	_ =	shalt  }
0x4c: {  	_ =	shalt  }
0x4d: {  	_ =	shalt  }
0x4e: {  	_ =	shalt  }
0x4f: {  	_ =	shalt  }
0x50: {  	_ =	shalt  }
0x51: {  	_ =	shalt  }
0x52: {  	_ =	shalt  }
0x53: {  	_ =	shalt  }
0x54: {  	_ =	shalt  }
0x55: {  	_ =	shalt  }
0x56: {  	_ =	shalt  }
0x57: {  	_ =	shalt  }
0x58: {  	_ =	shalt  }
0x59: {  	_ =	shalt  }
0x5a: {  	_ =	shalt  }
0x5b: {  	_ =	shalt  }
0x5c: {  	_ =	shalt  }
0x5d: {  	_ =	shalt  }
0x5e: {  	_ =	shalt  }
0x5f: {  	_ =	shalt  }
0x60: {  	_ =	shalt  }
0x61: {  	_ =	shalt  }
0x62: {  	_ =	shalt  }
0x63: {  	_ =	shalt  }
0x64: {  	_ =	shalt  }
0x65: {  	_ =	shalt  }
0x66: {  	_ =	shalt  }
0x67: {  	_ =	shalt  }
0x68: {  	_ =	shalt  }
0x69: {  	_ =	shalt  }
0x6a: {  	_ =	shalt  }
0x6b: {  	_ =	shalt  }
0x6c: {  	_ =	shalt  }
0x6d: {  	_ =	shalt  }
0x6e: {  	_ =	shalt  }
0x6f: {  	_ =	shalt  }
0x70: {  	_ =	shalt  }
0x71: {  	_ =	shalt  }
0x72: {  	_ =	shalt  }
0x73: {  	_ =	shalt  }
0x74: {  	_ =	shalt  }
0x75: {  	_ =	shalt  }
0x76: {  	_ =	shalt  }
0x77: {  	_ =	shalt  }
0x78: {  	_ =	shalt  }
0x79: {  	_ =	shalt  }
0x7a: {  	_ =	shalt  }
0x7b: {  	_ =	shalt  }
0x7c: {  	_ =	shalt  }
0x7d: {  	_ =	shalt  }
0x7e: {  	_ =	shalt  }
0x7f: {  	_ =	shalt  }
0x80: {  	_ =	shalt  }
0x81: {  	_ =	shalt  }
0x82: {  	_ =	shalt  }
0x83: {  	_ =	shalt  }
0x84: {  	_ =	shalt  }
0x85: {  	_ =	shalt  }
0x86: {  	_ =	shalt  }
0x87: {  	_ =	shalt  }
.Lfunc_end0:
.L_simem_size_0:
called_computation_lowered:
.L_overlay_start_0:
0x88: {  	s2 =	sld [smem:$0x3FD9]  }
0x89: {  	s3 =	sld [smem:$0x3FFE];
	_ =	sdelay $0x1  }
0x8a: {  	s1 =	srdreg.scid  }
0x8b: {  	s0 =	sand.u32 $0x1, s1  }
0x8c: {  	s17 =	sshll.u32 s0, $0xA;
	s2 =	sadd.s32 s3, s2  }
0x8d: {  	s2 =	sadd.s32 s2, s17  }
0x8e: {  	[smem:$0x3FC6] =	sst s2  }
0x8f: {  	_ = 	snop  }
0x90: {  	s2 =	sld [smem:$0x3FC8];
	(tm) =	ssettm $0x1  }
0x91: {  	s18 =	sld [smem:$0x3FFB];
	_ =	sdelay $0x3  }
0x92: {  	_ =	strace s18  }
0x93: {  	s3 =	sld [smem:$0x3FFC];
	_ =	sdelay $0x3  }
0x94: {  	_ =	strace s3  }
0x95: {  	s3 =	sld [smem:$0x3FFD];
	_ =	sdelay $0x3  }
0x96: {  	_ =	strace s3  }
0x97: {  	_ =	strace $0x8FFFFFFF  }
0x98: {  	s19 =	sld [smem:$0x3FDB];
	_ =	sdelay $0x1  }
0x99: {  	s4 =	simm.s32 $_scs_section_size  }
0x9a: {  	s5 =	simm.s32 $_size__tile_overlayer_lowered;
	s6 =	simm.s32 $_tile_overlayer_lowered  }
0x9b: {  	s22 =	simm.s32 $0x1BFF;
	s21 =	sshll.u32 s6, $0x1;
	s3 =	sadd.s32 s4, s19  }
0x9c: {  	s7 =	simm.s32 $0x0;
	s20 =	sshll.u32 s5, $0x1;
	s5 =	sadd.s32 s21, s3  }
0x9d: {  	[timem:s7], [sflag:s22] =	dma.local [hbm:s5], s20  }
0x9e: {  	_ =	swait.ge [sflag:s22], s20  }
0x9f: {  	s4 =	ssub.s32 $0x0, s20;
	[sflag:s22] =	ssyncset.done $0x0  }
0xa0: {  	[sflag:s22] =	ssyncadd.s32 s4;
	_ =	sdelay $0x1  }
0xa1: {  	s23 =	simm.s32 $0x1B8B  }
0xa2: {  	_ =	swait.ge [sflag:s23], $0x1  }
0xa3: {  	[sflag:s23] =	ssyncset.done $0x0  }
0xa4: {  	s25 =	simm.s32 $0x1B8E;
	s24 =	sld [smem:$0x3FFE];
	[sflag:s23] =	ssyncadd.s32 $0xFFFFFFFF  }
0xa5: {  	s26 =	simm.s32 $execute0_lowered;
	[smem:$0x3FD2] =	sst s25  }
0xa6: {  	s5 =	sshll.u32 s26, $0x1;
	_ =	strace $0x80000046;
	[dreg:$0x1] =	wrdreg $0xFFFFFFFF  }
0xa7: {  	s28 =	simm.s32 $_size_execute0_lowered;
	s3 =	sadd.s32 s3, s5;
	[dreg:$0x0] =	wrdreg $0x0  }
0xa8: {  	s5 =	sshll.u32 s28, $0x1;
	[dreg:$0x2] =	wrdreg s3  }
0xa9: {  	[dreg:$0x3] =	wrdreg s5  }
0xaa: {  	[dreg:$0x4] =	wrdreg $0xC0  }
0xab: {  	_ =	task [dreg:s7], $0x5FFFF  }
0xac: {  	[dreg:$0x1] =	wrdreg $0xFFFFFFFF  }
0xad: {  	[dreg:$0x0] =	wrdreg $0x60  }
0xae: {  	[dreg:$0x2] =	wrdreg s2  }
0xaf: {  	[dreg:$0x3] =	wrdreg s24  }
0xb0: {  	[dreg:$0x4] =	wrdreg $0x9  }
0xb1: {  	_ =	task.clear_ibuf [dreg:s7], $0x5FFFF;
	_ =	strace $0x90000046  }
0xb2: {  	s29 =	simm.s32 $0x9;
	_ =	strace $0x8000004F  }
0xb3: {  	_ =	swait.ge [sflag:s29], $0x1  }
0xb4: {  	[sflag:s29] =	ssyncadd.s32 $0xFFFFFFFF  }
0xb5: {  	_ =	strace $0x9000004F  }
0xb6: {  	_ =	sfence  }
0xb7: {  	s30 =	sld [smem:$0x0];
	_ =	sdelay $0x2  }
0xb8: {  	s31 =	sshll.u32 s1, $0xD;
	s1 =	sshrl.u32 s1, $0x2  }
0xb9: {  	s3 =	sand.u32 $0x4000, s31;
	s1 =	sadd.s32 s1, s30  }
0xba: {  	s0 =	sor.u32 s3, s0;
	s1 =	sshll.u32 s1, $0x11  }
0xbb: {  	s0 =	sor.u32 s1, s0  }
0xbc: {  	s0 =	sadd.s32 $0x8F2B, s0  }
0xbd: {  	[sflag:s0] =	ssyncadd.remote.s32 $0x1  }
0xbe: {  	_ =	sfence.sel $0xFFFF  }
0xbf: {  	[dreg:$0x0] =	wrdreg $0xFFFFFFFF;
	(pc) =	sbr.abs _section_cstart, $3  }
0xc0: {  	[dreg:$0x1] =	wrdreg $0xFFFFFFFF  }
0xc1: {  	_ =	task.clear_ibuf [dreg:s7], $0x2FFFF;
	_ =	strace $0x9FFFFFFF  }
0xc2: {  	(tm) =	ssettm $0x7FFFFFFF  }
0xc3: {  	_ =	shalt  }
tec
execute0_lowered:
.L_overlay_start_1:
0x0: {  	(tag) =	ssettag $0x1  }
0x1: {  	s0 =	srdreg.scid  }
0x2: {  	s15 =	sand.u32 $0x1, s0  }
0x3: {  	s1 =	stileid.u32;
	s4 =	sshll.u32 s15, $0x4  }
0x4: {  	s4 =	sor.u32 s1, s4  }
0x5: {  	p0 =	sgt.u32 s4, $0x7  }
.Ltmp0:
0x6: {  	_ = 	snop;
	(pc) =	sbr.rel @p0 .LBB2_4-.Ltmp0, $4  }
0x7: {  	s2 =	rddreg [dreg:$0x0]  }
0x8: {  	s10 =	rddreg [dreg:$0x1];
	s3 =	simm.s32 $0x0  }
0x9: {  	[smem:$0x7FF] =	sst s3  }
0xa: {  	s0 =	rddreg [dreg:$0x2];
	_ =	strace $0x80000047  }
0xb: {  	s11 =	smin.u32 s4, $0x8  }
0xc: {  	s5 =	sadd.s32 $0x1400, s10;
	s6 =	sshll.u32 s11, $0x4  }
0xd: {  	_ =	strace $0x80000048;
	s4 =	sadd.s32 s5, s6  }
0xe: {  	[tilespmem:s3], [sflag:$0x1] =	stream.linear.gather [hbm4b:s4+s3], $0x80, $0x200038;
	[tilespmem:$0x8100] =	vst v63  }
0xf: {  	s5 =	sadd.s32 s6, s5;
	_ =	strace $0x90000048  }
0x10: {  	s6 =	simm.s32 $0x80;
	s5 =	sadd.s32 $0x80, s5;
	_ =	strace $0x80000049  }
0x11: {  	[tilespmem:s6], [sflag:$0x2] =	stream.linear.gather [hbm4b:s5+s3], $0x80, $0x200038;
	[tilespmem:$0x8100] =	vst v63  }
0x12: {  	_ =	strace $0x90000049  }
0x13: {  	s7 =	simm.s32 $0x1;
	_ =	strace $0x8000004A  }
0x14: {  	_ =	swait.ge [sflag:s7], $0x80  }
0x15: {  	[sflag:s7] =	ssyncset.done $0x0  }
0x16: {  	[sflag:s7] =	ssyncadd.s32 $0xFFFFFF80  }
0x17: {  	_ =	strace $0x9000004A  }
0x18: {  	s8 =	simm.s32 $0x100;
	s9 =	simm.s32 $0x5;
	_ =	strace $0x8000004B  }
0x19: {  	[tilespmem:s8], [sflag:$0x5] =	stream.indirect.gather [hbm4b:s2+s6], $0x80, s3, s6, $0x2000b8;
	[tilespmem:$0x8100] =	vst v63  }
0x1a: {  	_ =	swait.ge [sflag:s9], $0x4000  }
0x1b: {  	[sflag:s9] =	ssyncset.done $0x0  }
0x1c: {  	[sflag:s9] =	ssyncadd.s32 $0xFFFFC000  }
0x1d: {  	s31 =	sadd.s32 $0x1600, s10;
	s11 =	sshll.u32 s11, $0xB;
	_ =	strace $0x9000004B  }
0x1e: {  	s10 =	sadd.s32 s31, s11;
	_ =	strace $0x8000004C  }
0x1f: {  	[hbm4b:s10+s3] =	stream.linear.scatter [tilespmem:s8], [sflag:$0x3], $0x4000, $0x200038;
	[tilespmem:$0x8100] =	vst v63  }
0x20: {  	_ =	strace $0x9000004C  }
0x21: {  	s11 =	simm.s32 $0x2;
	_ =	strace $0x8000004A  }
0x22: {  	_ =	swait.ge [sflag:s11], $0x80  }
0x23: {  	[sflag:s11] =	ssyncset.done $0x0  }
0x24: {  	[sflag:s11] =	ssyncadd.s32 $0xFFFFFF80  }
0x25: {  	_ =	strace $0x9000004A  }
0x26: {  	s12 =	simm.s32 $0x4100;
	_ =	strace $0x8000004B  }
0x27: {  	[tilespmem:s12], [sflag:$0x5] =	stream.indirect.gather [hbm4b:s2+s6], $0x80, s6, s6, $0x2000b8;
	[tilespmem:$0x8100] =	vst v63  }
0x28: {  	_ =	swait.ge [sflag:s9], $0x4000  }
0x29: {  	[sflag:s9] =	ssyncset.done $0x0  }
0x2a: {  	[sflag:s9] =	ssyncadd.s32 $0xFFFFC000  }
0x2b: {  	_ =	strace $0x9000004B  }
0x2c: {  	s13 =	sadd.s32 $0x4000, s10;
	_ =	strace $0x8000004C  }
0x2d: {  	[hbm4b:s13+s3] =	stream.linear.scatter [tilespmem:s12], [sflag:$0x4], $0x4000, $0x200038;
	[tilespmem:$0x8100] =	vst v63  }
0x2e: {  	s15 =	ssub.s32 $0x2, s15;
	_ =	strace $0x9000004C  }
0x2f: {  	s14 =	simm.s32 $0x3;
	s16 =	sshrl.u32 s15, $0x1;
	_ =	strace $0x8000004D  }
0x30: {  	s16 =	ssub.s32 s15, s16;
	_ =	swait.ge [sflag:s14], $0x4000  }
0x31: {  	s16 =	smax.u32 s16, $0x1;
	[sflag:s14] =	ssyncset.done $0x0  }
0x32: {  	p0 =	sne.s32 s16, $0x1;
	[sflag:s14] =	ssyncadd.s32 $0xFFFFC000  }
.Ltmp1:
0x33: {  	_ =	strace $0x9000004D;
	(pc) =	sbr.rel @!p0 .LBB2_3-.Ltmp1, $4  }
0x34: {  	s15 =	simm.s32 $0x4;
	_ =	strace $0x8000004E  }
0x35: {  	_ =	swait.ge [sflag:s15], $0x4000  }
0x36: {  	[sflag:s15] =	ssyncset.done $0x0  }
0x37: {  	s16 =	sadd.s32 $0xFFFFFFFF, s16;
	[sflag:s15] =	ssyncadd.s32 $0xFFFFC000  }
.LBB2_2:
0x38: {  	p0 =	sne.s32 s16, $0x1;
	s16 =	sadd.s32 $0xFFFFFFFF, s16;
	_ =	strace $0x9000004E  }
0x39: {  	_ =	strace $0x80000048  }
0x3a: {  	[tilespmem:s3], [sflag:$0x1] =	stream.linear.gather [hbm4b:s4+s3], $0x80, $0x200038;
	[tilespmem:$0x8100] =	vst v63  }
0x3b: {  	_ =	strace $0x90000048  }
0x3c: {  	_ =	strace $0x80000049  }
0x3d: {  	[tilespmem:s6], [sflag:$0x2] =	stream.linear.gather [hbm4b:s5+s3], $0x80, $0x200038;
	[tilespmem:$0x8100] =	vst v63  }
0x3e: {  	_ =	strace $0x90000049  }
0x3f: {  	_ =	strace $0x8000004A  }
0x40: {  	_ =	swait.ge [sflag:s7], $0x80  }
0x41: {  	[sflag:s7] =	ssyncset.done $0x0  }
0x42: {  	[sflag:s7] =	ssyncadd.s32 $0xFFFFFF80  }
0x43: {  	_ =	strace $0x9000004A  }
0x44: {  	_ =	strace $0x8000004B  }
0x45: {  	[tilespmem:s8], [sflag:$0x5] =	stream.indirect.gather [hbm4b:s2+s6], $0x80, s3, s6, $0x2000b8;
	[tilespmem:$0x8100] =	vst v63  }
0x46: {  	_ =	swait.ge [sflag:s9], $0x4000  }
0x47: {  	[sflag:s9] =	ssyncset.done $0x0  }
0x48: {  	[sflag:s9] =	ssyncadd.s32 $0xFFFFC000  }
0x49: {  	_ =	strace $0x9000004B  }
0x4a: {  	_ =	strace $0x8000004C  }
0x4b: {  	[hbm4b:s10+s3] =	stream.linear.scatter [tilespmem:s8], [sflag:$0x3], $0x4000, $0x200038;
	[tilespmem:$0x8100] =	vst v63  }
0x4c: {  	_ =	strace $0x9000004C  }
0x4d: {  	_ =	strace $0x8000004A  }
0x4e: {  	_ =	swait.ge [sflag:s11], $0x80  }
0x4f: {  	[sflag:s11] =	ssyncset.done $0x0  }
0x50: {  	[sflag:s11] =	ssyncadd.s32 $0xFFFFFF80  }
0x51: {  	_ =	strace $0x9000004A  }
0x52: {  	_ =	strace $0x8000004B  }
0x53: {  	[tilespmem:s12], [sflag:$0x5] =	stream.indirect.gather [hbm4b:s2+s6], $0x80, s6, s6, $0x2000b8;
	[tilespmem:$0x8100] =	vst v63  }
0x54: {  	_ =	swait.ge [sflag:s9], $0x4000  }
0x55: {  	[sflag:s9] =	ssyncset.done $0x0  }
0x56: {  	[sflag:s9] =	ssyncadd.s32 $0xFFFFC000  }
0x57: {  	_ =	strace $0x9000004B  }
0x58: {  	_ =	strace $0x8000004C  }
0x59: {  	[hbm4b:s13+s3] =	stream.linear.scatter [tilespmem:s12], [sflag:$0x4], $0x4000, $0x200038;
	[tilespmem:$0x8100] =	vst v63  }
0x5a: {  	_ =	strace $0x9000004C  }
0x5b: {  	_ =	strace $0x8000004D  }
0x5c: {  	_ =	swait.ge [sflag:s14], $0x4000  }
0x5d: {  	[sflag:s14] =	ssyncset.done $0x0  }
0x5e: {  	[sflag:s14] =	ssyncadd.s32 $0xFFFFC000  }
.Ltmp2:
0x5f: {  	_ =	strace $0x9000004D;
	(pc) =	sbr.rel @p0 .LBB2_2-.Ltmp2, $4  }
0x60: {  	_ =	strace $0x8000004E  }
0x61: {  	_ =	swait.ge [sflag:s15], $0x4000  }
0x62: {  	[sflag:s15] =	ssyncset.done $0x0  }
0x63: {  	[sflag:s15] =	ssyncadd.s32 $0xFFFFC000  }
.LBB2_3:
0x64: {  	_ =	strace $0x9000004E  }
.LBB2_4:
0x65: {  	_ =	sfence.sel $0x180000  }
0x66: {  	[bflag:$0x0] =	sbarrier.arrive $0xFFFF  }
0x67: {  	p0 =	sne.s32 s1, $0x0;
	_ =	strace $0x90000047  }
0x68: {  	s0 =	sadd.s32 @!p0 $0x100000, s0;
	[bflag:$0x2] =	sbarrier.arrive $0xFFFF  }
0x69: {  	[sflag:s0] =	ssyncadd.tile.s32 @!p0 $0x1;
	_ =	shalt  }
.Lfunc_end2:
_tile_overlayer_lowered:
.L_overlay_start_2:
0x6a: {  	(tag) =	ssettag $0x2  }
0x6b: {  	s0 =	rddreg [dreg:$0x0];
	s2 =	stileid.u32  }
0x6c: {  	s1 =	rddreg [dreg:$0x1];
	p0 =	sne.s32 s2, $0x0  }
0x6d: {  	s3 =	rddreg [dreg:$0x2];
	[bflag:$0x3] =	sbarrier.arrive $0xFFFF;
	s2 =	simm.s32 @!p0 $0x1C01  }
0x6e: {  	[timem:s3], [sflag:s2] =	dma.local @!p0 [hbm:s0], s1  }
0x6f: {  	s0 =	simm.s32 @!p0 $0x1  }
0x70: {  	_ =	swait.ge @!p0 [sflag:s0], s1  }
0x71: {  	s1 =	ssub.s32 @!p0 $0x0, s1;
	[sflag:s0] =	ssyncset.done @!p0 $0x0  }
0x72: {  	[sflag:s0] =	ssyncadd.s32 @!p0 s1  }
0x73: {  	[bflag:$0x3] =	sbarrier.arrive $0xFFFF  }
0x74: {  	_ =	shalt  }

</sc_bundles>
